<compile_context>
chip_gen: v7x
topology: tpu7x:2x2x1
jax: 0.10.2.dev20260603
libtpu: 0.0.44.dev20260713+nightly
codegen_flags: <defaults>
</compile_context>

<pallas_src>
import functools
import jax
import jax.numpy as jnp
from jax import lax
from jax.experimental import pallas as pl
from jax.experimental.pallas import tpu as pltpu
from jax.experimental.pallas import tpu_sc as plsc

N = 10000
E = 320000
D = 128
B = 64
NL = 3

NT = 16
EPT = E // NT
CH = 80
NCH = EPT // CH
SLAB = 50
NSLAB = NCH // SLAB
NS = N + 8
RPT = N // NT


def _deg_body(dst4, ones_hbm, zeros_hbm, deg_out, deg_sh, idx_v, ones_v):
    c = lax.axis_index("c")
    s = lax.axis_index("s")
    pltpu.sync_copy(zeros_hbm.at[pl.ds(s * RPT, RPT)],
                    deg_sh.at[pl.ds(s * RPT, RPT)])

    @pl.when(s == 0)
    def _():
        pltpu.sync_copy(zeros_hbm.at[pl.ds(0, 8)], deg_sh.at[pl.ds(N, 8)])

    pltpu.sync_copy(ones_hbm, ones_v)
    plsc.subcore_barrier()

    def slab(h, _):
        pltpu.sync_copy(dst4.at[c, s, pl.ds(h * SLAB, SLAB)], idx_v)

        def chunk(j, _):
            pltpu.sync_copy(ones_v, deg_sh.at[idx_v.at[j]], add=True)
            return 0

        lax.fori_loop(0, SLAB, chunk, 0)
        return 0

    lax.fori_loop(0, NSLAB, slab, 0)
    plsc.subcore_barrier()
    pltpu.sync_copy(deg_sh.at[pl.ds(s * RPT, RPT)],
                    deg_out.at[pl.ds(c * N + s * RPT, RPT)])


@functools.cache
def _sc_mesh():
    return plsc.VectorSubcoreMesh(core_axis_name="c", subcore_axis_name="s")


@functools.cache
def _deg_kernel():
    return pl.kernel(
        _deg_body,
        out_type=jax.ShapeDtypeStruct((2 * N, 16), jnp.float32),
        mesh=_sc_mesh(),
        compiler_params=pltpu.CompilerParams(use_tc_tiling_on_sc=False),
        scratch_types=[
            pltpu.VMEM_SHARED((NS, 16), jnp.float32),
            pltpu.VMEM((SLAB, CH), jnp.int32),
            pltpu.VMEM((CH, 16), jnp.float32),
        ],
    )


def _deg_call(dst4, ones_hbm, zeros_hbm):
    return _deg_kernel()(dst4, ones_hbm, zeros_hbm)


def _msg_body(xs_hbm, src4, dst4, zeros_hbm, ms_out,
              acc_sh, sidx_v, didx_v, rows0, rows1, gs0, gs1, ss0, ss1):
    c = lax.axis_index("c")
    s = lax.axis_index("s")
    pltpu.sync_copy(zeros_hbm.at[pl.ds(s * RPT, RPT)],
                    acc_sh.at[pl.ds(s * RPT, RPT)])

    @pl.when(s == 0)
    def _():
        pltpu.sync_copy(zeros_hbm.at[pl.ds(0, 8)], acc_sh.at[pl.ds(N, 8)])

    plsc.subcore_barrier()

    def g_start(j, buf, sem):
        pltpu.async_copy(xs_hbm.at[sidx_v.at[j]], buf, sem)

    def g_wait(j, buf, sem):
        pltpu.make_async_copy(xs_hbm.at[sidx_v.at[j]], buf, sem).wait()

    def s_start(j, buf, sem):
        pltpu.async_copy(buf, acc_sh.at[didx_v.at[j]], sem, add=True)

    def s_wait(j, buf, sem):
        pltpu.make_async_copy(buf, acc_sh.at[didx_v.at[j]], sem).wait()

    def slab(h, _):
        pltpu.sync_copy(src4.at[c, s, pl.ds(h * SLAB, SLAB)], sidx_v)
        pltpu.sync_copy(dst4.at[c, s, pl.ds(h * SLAB, SLAB)], didx_v)
        g_start(0, rows0, gs0)

        def body(jj, _):
            j0 = 2 * jj
            j1 = j0 + 1
            g_wait(j0, rows0, gs0)
            s_start(j0, rows0, ss0)

            @pl.when(jj > 0)
            def _():
                s_wait(j1 - 2, rows1, ss1)

            g_start(j1, rows1, gs1)
            g_wait(j1, rows1, gs1)
            s_start(j1, rows1, ss1)
            s_wait(j0, rows0, ss0)

            @pl.when(jj + 1 < SLAB // 2)
            def _():
                g_start(j0 + 2, rows0, gs0)

            return 0

        lax.fori_loop(0, SLAB // 2, body, 0)
        s_wait(SLAB - 1, rows1, ss1)
        return 0

    lax.fori_loop(0, NSLAB, slab, 0)
    plsc.subcore_barrier()
    pltpu.sync_copy(acc_sh.at[pl.ds(s * RPT, RPT)],
                    ms_out.at[pl.ds(c * N + s * RPT, RPT)])


@functools.cache
def _msg_kernel():
    return pl.kernel(
        _msg_body,
        out_type=jax.ShapeDtypeStruct((2 * N, D), jnp.float32),
        mesh=_sc_mesh(),
        compiler_params=pltpu.CompilerParams(use_tc_tiling_on_sc=False),
        scratch_types=[
            pltpu.VMEM_SHARED((NS, D), jnp.float32),
            pltpu.VMEM((SLAB, CH), jnp.int32),
            pltpu.VMEM((SLAB, CH), jnp.int32),
            pltpu.VMEM((CH, D), jnp.float32),
            pltpu.VMEM((CH, D), jnp.float32),
            pltpu.SemaphoreType.DMA,
            pltpu.SemaphoreType.DMA,
            pltpu.SemaphoreType.DMA,
            pltpu.SemaphoreType.DMA,
        ],
    )


def _msg_call(xs_hbm, src3, dst3, zeros_hbm):
    return _msg_kernel()(xs_hbm, src3, dst3, zeros_hbm)



_RB = 2000
_GR = (2 * N) // _RB


def _prep_k(x_ref, deg_ref, w_ref, xs_ref, dinv_ref):
    dinv = lax.rsqrt(deg_ref[:, 0:1] + 1.0)
    xw = jnp.dot(x_ref[...], w_ref[0], preferred_element_type=jnp.float32)
    xs_ref[...] = xw * dinv
    dinv_ref[...] = jnp.broadcast_to(dinv, (_RB, D))


def _prep(x_cat, deg_cat, w_cat):
    return pl.pallas_call(
        _prep_k,
        grid=(_GR,),
        in_specs=[
            pl.BlockSpec((_RB, D), lambda i: (i, 0)),
            pl.BlockSpec((_RB, 16), lambda i: (i, 0)),
            pl.BlockSpec((1, D, D), lambda i: (i // (_GR // 2), 0, 0)),
        ],
        out_specs=[
            pl.BlockSpec((_RB, D), lambda i: (i, 0)),
            pl.BlockSpec((_RB, D), lambda i: (i, 0)),
        ],
        out_shape=[
            jax.ShapeDtypeStruct((2 * N, D), jnp.float32),
            jax.ShapeDtypeStruct((2 * N, D), jnp.float32),
        ],
    )(x_cat, deg_cat, w_cat)


def _mid_k(ms_ref, xs_ref, dinv_ref, b_ref, w_ref, out_ref):
    h = jnp.maximum(dinv_ref[...] * (ms_ref[...] + xs_ref[...]) + b_ref[0], 0.0)
    out_ref[...] = jnp.dot(h, w_ref[0], preferred_element_type=jnp.float32) * dinv_ref[...]


def _mid(ms, xs, dinv, b_cat, w_cat):
    return pl.pallas_call(
        _mid_k,
        grid=(_GR,),
        in_specs=[
            pl.BlockSpec((_RB, D), lambda i: (i, 0)),
            pl.BlockSpec((_RB, D), lambda i: (i, 0)),
            pl.BlockSpec((_RB, D), lambda i: (i, 0)),
            pl.BlockSpec((1, 1, D), lambda i: (i // (_GR // 2), 0, 0)),
            pl.BlockSpec((1, D, D), lambda i: (i // (_GR // 2), 0, 0)),
        ],
        out_specs=pl.BlockSpec((_RB, D), lambda i: (i, 0)),
        out_shape=jax.ShapeDtypeStruct((2 * N, D), jnp.float32),
    )(ms, xs, dinv, b_cat, w_cat)


def _pool_k(ms_ref, xs_ref, dinv_ref, b_ref, ids_ref, out_ref, acc_ref):
    i = pl.program_id(0)
    h = jnp.maximum(dinv_ref[...] * (ms_ref[...] + xs_ref[...]) + b_ref[...], 0.0)
    ids = ids_ref[...]
    rows = jax.lax.broadcasted_iota(jnp.int32, (B, 1), 0)

    def seg(b, acc):
        m = jnp.max(jnp.where(ids == b, h, -jnp.inf), axis=0, keepdims=True)
        return jnp.where(rows == b, jnp.maximum(acc, m), acc)

    part = lax.fori_loop(0, B, seg, jnp.full((B, D), -jnp.inf, jnp.float32))

    @pl.when(i == 0)
    def _():
        acc_ref[...] = jnp.full((B, D), -jnp.inf, jnp.float32)

    acc_ref[...] = jnp.maximum(acc_ref[...], part)

    @pl.when(i == (N // _RB) - 1)
    def _():
        a = acc_ref[...]
        out_ref[...] = jnp.where(jnp.isfinite(a), a, 0.0)


def _pool(ms, xs, dinv, b, ids):
    return pl.pallas_call(
        _pool_k,
        grid=(N // _RB,),
        in_specs=[
            pl.BlockSpec((_RB, D), lambda i: (i, 0)),
            pl.BlockSpec((_RB, D), lambda i: (i, 0)),
            pl.BlockSpec((_RB, D), lambda i: (i, 0)),
            pl.BlockSpec((1, D), lambda i: (0, 0)),
            pl.BlockSpec((_RB, 1), lambda i: (i, 0)),
        ],
        out_specs=pl.BlockSpec((B, D), lambda i: (0, 0)),
        out_shape=jax.ShapeDtypeStruct((B, D), jnp.float32),
        scratch_shapes=[pltpu.VMEM((B, D), jnp.float32)],
    )(ms, xs, dinv, b, ids)


def _head_k(hp_ref, hd_ref, w0_ref, b0_ref, w1t_ref, b1_ref, out_ref):
    x = jnp.concatenate([hp_ref[...], hd_ref[...]], axis=1)
    x = jnp.dot(x, w0_ref[...], preferred_element_type=jnp.float32) + b0_ref[...]
    y = jnp.sum(x * w1t_ref[...], axis=1, keepdims=True) + b1_ref[...]
    out_ref[...] = y


def _head(hp, hd, w0, b0, w1t, b1):
    return pl.pallas_call(
        _head_k,
        out_shape=jax.ShapeDtypeStruct((B, 1), jnp.float32),
    )(hp, hd, w0, b0, w1t, b1)



def kernel(x_p, x_d, edge_attr_p, edge_attr_d, edge_index_p, edge_index_d,
           x_p_batch, x_d_batch, Wp, bp, Wd, bd, lin_W0, lin_b0, lin_W1, lin_b1):
    src4 = jnp.stack([edge_index_p[0], edge_index_d[0] + N]).reshape(2, NT, NCH, CH)
    dst4 = jnp.stack([edge_index_p[1], edge_index_d[1]]).reshape(2, NT, NCH, CH)

    ones16 = jnp.ones((CH, 16), jnp.float32)
    zeros16 = jnp.zeros((N, 16), jnp.float32)
    zerosD = jnp.zeros((N, D), jnp.float32)

    deg_cat = _deg_call(dst4, ones16, zeros16)

    x_cat = jnp.concatenate([x_p, x_d], axis=0)
    w_cat = jnp.stack([Wp, Wd], axis=0)
    b_cat = jnp.stack([bp, bd], axis=0)

    xs, dinv = _prep(x_cat, deg_cat, w_cat[:, 0])
    ms = None
    for i in range(NL):
        ms = _msg_call(xs, src4, dst4, zerosD)
        if i + 1 < NL:
            xs = _mid(ms, xs, dinv, b_cat[:, i].reshape(2, 1, D), w_cat[:, i + 1])

    hp = _pool(ms[:N], xs[:N], dinv[:N], bp[NL - 1][None], x_p_batch.reshape(N, 1))
    hd = _pool(ms[N:], xs[N:], dinv[N:], bd[NL - 1][None], x_d_batch.reshape(N, 1))

    return _head(hp, hd, lin_W0, lin_b0[None], lin_W1.reshape(1, 2 * D),
                 lin_b1.reshape(1, 1))

# --- scband reference (transcript-rebuilt; emitter-appended) ---
"""Pipeline reference for scband-gcn-pair-80900003987922 (READ-ONLY COPY).

The authoritative reference and input builder live on the scoring server;
editing this copy changes nothing except your own understanding.
"""

import jax, jax.numpy as jnp
import numpy as np

N = 10000
E = 320000
D = 128
B = 64
NUM_GRAPH_LAYER = 3


def gcn_conv(x, edge_index, W, b, num_nodes):
    # PyG GCNConv: x' = D^{-1/2} (A + I) D^{-1/2} (X W) + b
    x = x @ W
    src = edge_index[0]
    dst = edge_index[1]
    si = jnp.arange(num_nodes, dtype=src.dtype)
    src = jnp.concatenate([src, si])
    dst = jnp.concatenate([dst, si])
    deg = jnp.zeros((num_nodes,), dtype=x.dtype).at[dst].add(1.0)
    dinv = jnp.where(deg > 0, 1.0 / jnp.sqrt(deg), 0.0)
    norm = dinv[src] * dinv[dst]
    msg = x[src] * norm[:, None]
    out = jax.ops.segment_sum(msg, dst, num_segments=num_nodes)
    return out + b


def setup_inputs(seed: int = 0) -> dict:
    key = jax.random.key(seed)
    ks = jax.random.split(key, 16)
    inp = {}
    inp["x_p"] = jax.random.normal(ks[0], (N, D), dtype=jnp.float32)
    inp["x_d"] = jax.random.normal(ks[1], (N, D), dtype=jnp.float32)
    inp["edge_attr_p"] = jax.random.normal(ks[2], (E, 16), dtype=jnp.float32)
    inp["edge_attr_d"] = jax.random.normal(ks[3], (E, 16), dtype=jnp.float32)
    inp["edge_index_p"] = jax.random.randint(ks[4], (2, E), 0, N, dtype=jnp.int32)
    inp["edge_index_d"] = jax.random.randint(ks[5], (2, E), 0, N, dtype=jnp.int32)
    inp["x_p_batch"] = jnp.sort(jax.random.randint(ks[6], (N,), 0, B, dtype=jnp.int32))
    inp["x_d_batch"] = jnp.sort(jax.random.randint(ks[7], (N,), 0, B, dtype=jnp.int32))
    # learned parameters: 3 GCN layers per branch (all D->D since num_node_features == embedding_size == 128)
    inp["Wp"] = jax.random.normal(ks[8], (NUM_GRAPH_LAYER, D, D), dtype=jnp.float32) * 0.05
    inp["bp"] = jnp.zeros((NUM_GRAPH_LAYER, D), dtype=jnp.float32)
    inp["Wd"] = jax.random.normal(ks[9], (NUM_GRAPH_LAYER, D, D), dtype=jnp.float32) * 0.05
    inp["bd"] = jnp.zeros((NUM_GRAPH_LAYER, D), dtype=jnp.float32)
    # linear head: Linear(2D, 2D) then Linear(2D, 1)
    inp["lin_W0"] = jax.random.normal(ks[10], (2 * D, 2 * D), dtype=jnp.float32) * 0.05
    inp["lin_b0"] = jnp.zeros((2 * D,), dtype=jnp.float32)
    inp["lin_W1"] = jax.random.normal(ks[11], (2 * D, 1), dtype=jnp.float32) * 0.05
    inp["lin_b1"] = jnp.zeros((1,), dtype=jnp.float32)
    return inp


def reference(x_p, x_d, edge_attr_p, edge_attr_d, edge_index_p, edge_index_d,
              x_p_batch, x_d_batch, Wp, bp, Wd, bd, lin_W0, lin_b0, lin_W1, lin_b1):
    h = x_p
    for i in range(NUM_GRAPH_LAYER):
        h = jax.nn.relu(gcn_conv(h, edge_index_p, Wp[i], bp[i], N))
    g = x_d
    for i in range(NUM_GRAPH_LAYER):
        g = jax.nn.relu(gcn_conv(g, edge_index_d, Wd[i], bd[i], N))
    # global_max_pool per graph in the batch
    hp = jax.ops.segment_max(h, x_p_batch, num_segments=B)
    hd = jax.ops.segment_max(g, x_d_batch, num_segments=B)
    hp = jnp.where(jnp.isfinite(hp), hp, 0.0)
    hd = jnp.where(jnp.isfinite(hd), hd, 0.0)
    x = jnp.concatenate([hp, hd], axis=1)
    # dropout(p=0.5) is identity in eval mode
    x = x @ lin_W0 + lin_b0
    x = x @ lin_W1 + lin_b1
    return x

if __name__ == "__main__":
    import jax
    _d = setup_inputs()
    print(jax.jit(kernel)(*tuple(_d.values())))

</pallas_src>

<mosaic_0001>
#map = affine_map<(d0, d1) -> (0, 0)>
#map1 = affine_map<(d0, d1) -> (0, 0, 0, 0)>
module attributes {stable_mosaic.version = 14 : i64} {
  func.func @_msg_body(%arg0: i32, %arg1: i32, %arg2: memref<20000x128xf32, #tpu.memory_space<hbm>>, %arg3: memref<2x16x250x80xi32, #tpu.memory_space<hbm>>, %arg4: memref<2x16x250x80xi32, #tpu.memory_space<hbm>>, %arg5: memref<10000x128xf32, #tpu.memory_space<hbm>>, %arg6: memref<20000x128xf32, #tpu.memory_space<hbm>>, %arg7: memref<10008x128xf32, #tpu.memory_space<vmem_shared>>, %arg8: memref<50x80xi32, #tpu.memory_space<vmem>>, %arg9: memref<50x80xi32, #tpu.memory_space<vmem>>, %arg10: memref<80x128xf32, #tpu.memory_space<vmem>>, %arg11: memref<80x128xf32, #tpu.memory_space<vmem>>, %arg12: memref<!tpu.dma_semaphore, #tpu.memory_space<semaphore_mem>>, %arg13: memref<!tpu.dma_semaphore, #tpu.memory_space<semaphore_mem>>, %arg14: memref<!tpu.dma_semaphore, #tpu.memory_space<semaphore_mem>>, %arg15: memref<!tpu.dma_semaphore, #tpu.memory_space<semaphore_mem>>) attributes {dimension_semantics = [#tpu.dimension_semantics<core_parallel>, #tpu.dimension_semantics<subcore_parallel>], iteration_bounds = array<i64: 2, 16>, scalar_prefetch = 0 : i64, scratch_operands = 9 : i64, tpu.core_type = #tpu.core_type<sc_vector_subcore>, window_params = [{transform_indices = #map}, {transform_indices = #map1}, {transform_indices = #map1}, {transform_indices = #map}, {transform_indices = #map}]} {
    %mul3A = arith.constant 625 : i32
    %mul3A_0 = arith.muli %arg1, %mul3A : i32
    %mul3A_1 = arith.constant 625 : i32
    %mul3A_2 = arith.muli %arg1, %mul3A_1 : i32
    "tpu.region"() ({
      %run_scoped3A = tpu.sem_alloc : memref<!tpu.dma_semaphore, #tpu.memory_space<semaphore_mem>>
      %dma_start3A = arith.constant 0 : i32
      %dma_start3A_18 = tpu.memref_slice %arg7[%mul3A_2, %dma_start3A] : memref<10008x128xf32, #tpu.memory_space<vmem_shared>> -> memref<625x128xf32, #tpu.memory_space<vmem_shared>>
      %dma_start3A_19 = arith.constant 0 : i32
      %dma_start3A_20 = tpu.memref_slice %arg5[%mul3A_0, %dma_start3A_19] : memref<10000x128xf32, #tpu.memory_space<hbm>> -> memref<625x128xf32, #tpu.memory_space<hbm>>
      tpu.enqueue_dma source(%dma_start3A_20 : memref<625x128xf32, #tpu.memory_space<hbm>>) target(%dma_start3A_18 : memref<625x128xf32, #tpu.memory_space<vmem_shared>>) target_semaphore(%run_scoped3A : memref<!tpu.dma_semaphore, #tpu.memory_space<semaphore_mem>>)
      %dma_wait3A = arith.constant 0 : i32
      %dma_wait3A_21 = tpu.memref_slice %arg7[%mul3A_2, %dma_wait3A] : memref<10008x128xf32, #tpu.memory_space<vmem_shared>> -> memref<625x128xf32, #tpu.memory_space<vmem_shared>>
      %dma_wait3A_22 = arith.constant 0 : i32
      %dma_wait3A_23 = tpu.memref_slice %arg5[%mul3A_0, %dma_wait3A_22] : memref<10000x128xf32, #tpu.memory_space<hbm>> -> memref<625x128xf32, #tpu.memory_space<hbm>>
      tpu.wait_dma2 semaphore(%run_scoped3A : memref<!tpu.dma_semaphore, #tpu.memory_space<semaphore_mem>>) src(%dma_wait3A_23 : memref<625x128xf32, #tpu.memory_space<hbm>>) dst(%dma_wait3A_21 : memref<625x128xf32, #tpu.memory_space<vmem_shared>>)
      tpu.yield
    }) : () -> ()
    %eq3A = arith.constant 0 : i32
    %eq3A_3 = arith.cmpi eq, %arg1, %eq3A : i32
    %convert_element_type3A = arith.extui %eq3A_3 : i1 to i32
    %cond3A = arith.constant 0 : i32
    %cond3A_4 = arith.cmpi ne, %convert_element_type3A, %cond3A : i32
    scf.if %cond3A_4 {
      "tpu.region"() ({
        %run_scoped3A = tpu.sem_alloc : memref<!tpu.dma_semaphore, #tpu.memory_space<semaphore_mem>>
        %dma_start3A = arith.constant 10000 : i32
        %dma_start3A_18 = arith.constant 0 : i32
        %dma_start3A_19 = tpu.memref_slice %arg7[%dma_start3A, %dma_start3A_18] : memref<10008x128xf32, #tpu.memory_space<vmem_shared>> -> memref<8x128xf32, #tpu.memory_space<vmem_shared>>
        %dma_start3A_20 = arith.constant 0 : i32
        %dma_start3A_21 = arith.constant 0 : i32
        %dma_start3A_22 = tpu.memref_slice %arg5[%dma_start3A_20, %dma_start3A_21] : memref<10000x128xf32, #tpu.memory_space<hbm>> -> memref<8x128xf32, #tpu.memory_space<hbm>>
        tpu.enqueue_dma source(%dma_start3A_22 : memref<8x128xf32, #tpu.memory_space<hbm>>) target(%dma_start3A_19 : memref<8x128xf32, #tpu.memory_space<vmem_shared>>) target_semaphore(%run_scoped3A : memref<!tpu.dma_semaphore, #tpu.memory_space<semaphore_mem>>)
        %dma_wait3A = arith.constant 10000 : i32
        %dma_wait3A_23 = arith.constant 0 : i32
        %dma_wait3A_24 = tpu.memref_slice %arg7[%dma_wait3A, %dma_wait3A_23] : memref<10008x128xf32, #tpu.memory_space<vmem_shared>> -> memref<8x128xf32, #tpu.memory_space<vmem_shared>>
        %dma_wait3A_25 = arith.constant 0 : i32
        %dma_wait3A_26 = arith.constant 0 : i32
        %dma_wait3A_27 = tpu.memref_slice %arg5[%dma_wait3A_25, %dma_wait3A_26] : memref<10000x128xf32, #tpu.memory_space<hbm>> -> memref<8x128xf32, #tpu.memory_space<hbm>>
        tpu.wait_dma2 semaphore(%run_scoped3A : memref<!tpu.dma_semaphore, #tpu.memory_space<semaphore_mem>>) src(%dma_wait3A_27 : memref<8x128xf32, #tpu.memory_space<hbm>>) dst(%dma_wait3A_24 : memref<8x128xf32, #tpu.memory_space<vmem_shared>>)
        tpu.yield
      }) : () -> ()
    } else {
    }
    %barrier3A = arith.constant 0 : index
    tpu.barrier barrier_id(%barrier3A)
    %scan3A = arith.constant 0 : i32
    %scan3A_5 = arith.constant 0 : i32
    %scan3A_6 = arith.constant 5 : i32
    %scan3A_7 = arith.addi %scan3A_5, %scan3A_6 : i32
    %scan3A_8 = arith.constant 1 : i32
    %scan3A_9 = scf.for %scan3A_18 = %scan3A_5 to %scan3A_7 step %scan3A_8 iter_args(%scan3A_19 = %scan3A) -> (i32)  : i32 {
      %mul3A_20 = arith.constant 50 : i32
      %mul3A_21 = arith.muli %scan3A_18, %mul3A_20 : i32
      "tpu.region"() ({
        %run_scoped3A = tpu.sem_alloc : memref<!tpu.dma_semaphore, #tpu.memory_space<semaphore_mem>>
        %dma_start3A_44 = arith.constant 0 : i32
        %dma_start3A_45 = tpu.memref_slice %arg3[%arg0, %arg1, %mul3A_21, %dma_start3A_44] : memref<2x16x250x80xi32, #tpu.memory_space<hbm>> -> memref<1x1x50x80xi32, #tpu.memory_space<hbm>>
        %dma_start3A_46 = tpu.memref_squeeze %dma_start3A_45 : memref<1x1x50x80xi32, #tpu.memory_space<hbm>> -> memref<50x80xi32, #tpu.memory_space<hbm>>
        %dma_start3A_47 = arith.constant 0 : i32
        %dma_start3A_48 = tpu.memref_slice %arg3[%arg0, %arg1, %mul3A_21, %dma_start3A_47] : memref<2x16x250x80xi32, #tpu.memory_space<hbm>> -> memref<1x1x50x80xi32, #tpu.memory_space<hbm>>
        %dma_start3A_49 = tpu.memref_squeeze %dma_start3A_48 : memref<1x1x50x80xi32, #tpu.memory_space<hbm>> -> memref<50x80xi32, #tpu.memory_space<hbm>>
        tpu.enqueue_dma source(%dma_start3A_49 : memref<50x80xi32, #tpu.memory_space<hbm>>) target(%arg8 : memref<50x80xi32, #tpu.memory_space<vmem>>) target_semaphore(%run_scoped3A : memref<!tpu.dma_semaphore, #tpu.memory_space<semaphore_mem>>)
        %dma_wait3A_50 = arith.constant 0 : i32
        %dma_wait3A_51 = tpu.memref_slice %arg3[%arg0, %arg1, %mul3A_21, %dma_wait3A_50] : memref<2x16x250x80xi32, #tpu.memory_space<hbm>> -> memref<1x1x50x80xi32, #tpu.memory_space<hbm>>
        %dma_wait3A_52 = tpu.memref_squeeze %dma_wait3A_51 : memref<1x1x50x80xi32, #tpu.memory_space<hbm>> -> memref<50x80xi32, #tpu.memory_space<hbm>>
        %dma_wait3A_53 = arith.constant 0 : i32
        %dma_wait3A_54 = tpu.memref_slice %arg3[%arg0, %arg1, %mul3A_21, %dma_wait3A_53] : memref<2x16x250x80xi32, #tpu.memory_space<hbm>> -> memref<1x1x50x80xi32, #tpu.memory_space<hbm>>
        %dma_wait3A_55 = tpu.memref_squeeze %dma_wait3A_54 : memref<1x1x50x80xi32, #tpu.memory_space<hbm>> -> memref<50x80xi32, #tpu.memory_space<hbm>>
        tpu.wait_dma2 semaphore(%run_scoped3A : memref<!tpu.dma_semaphore, #tpu.memory_space<semaphore_mem>>) src(%dma_wait3A_55 : memref<50x80xi32, #tpu.memory_space<hbm>>) dst(%arg8 : memref<50x80xi32, #tpu.memory_space<vmem>>)
        tpu.yield
      }) : () -> ()
      %mul3A_22 = arith.constant 50 : i32
      %mul3A_23 = arith.muli %scan3A_18, %mul3A_22 : i32
      "tpu.region"() ({
        %run_scoped3A = tpu.sem_alloc : memref<!tpu.dma_semaphore, #tpu.memory_space<semaphore_mem>>
        %dma_start3A_44 = arith.constant 0 : i32
        %dma_start3A_45 = tpu.memref_slice %arg4[%arg0, %arg1, %mul3A_23, %dma_start3A_44] : memref<2x16x250x80xi32, #tpu.memory_space<hbm>> -> memref<1x1x50x80xi32, #tpu.memory_space<hbm>>
        %dma_start3A_46 = tpu.memref_squeeze %dma_start3A_45 : memref<1x1x50x80xi32, #tpu.memory_space<hbm>> -> memref<50x80xi32, #tpu.memory_space<hbm>>
        %dma_start3A_47 = arith.constant 0 : i32
        %dma_start3A_48 = tpu.memref_slice %arg4[%arg0, %arg1, %mul3A_23, %dma_start3A_47] : memref<2x16x250x80xi32, #tpu.memory_space<hbm>> -> memref<1x1x50x80xi32, #tpu.memory_space<hbm>>
        %dma_start3A_49 = tpu.memref_squeeze %dma_start3A_48 : memref<1x1x50x80xi32, #tpu.memory_space<hbm>> -> memref<50x80xi32, #tpu.memory_space<hbm>>
        tpu.enqueue_dma source(%dma_start3A_49 : memref<50x80xi32, #tpu.memory_space<hbm>>) target(%arg9 : memref<50x80xi32, #tpu.memory_space<vmem>>) target_semaphore(%run_scoped3A : memref<!tpu.dma_semaphore, #tpu.memory_space<semaphore_mem>>)
        %dma_wait3A_50 = arith.constant 0 : i32
        %dma_wait3A_51 = tpu.memref_slice %arg4[%arg0, %arg1, %mul3A_23, %dma_wait3A_50] : memref<2x16x250x80xi32, #tpu.memory_space<hbm>> -> memref<1x1x50x80xi32, #tpu.memory_space<hbm>>
        %dma_wait3A_52 = tpu.memref_squeeze %dma_wait3A_51 : memref<1x1x50x80xi32, #tpu.memory_space<hbm>> -> memref<50x80xi32, #tpu.memory_space<hbm>>
        %dma_wait3A_53 = arith.constant 0 : i32
        %dma_wait3A_54 = tpu.memref_slice %arg4[%arg0, %arg1, %mul3A_23, %dma_wait3A_53] : memref<2x16x250x80xi32, #tpu.memory_space<hbm>> -> memref<1x1x50x80xi32, #tpu.memory_space<hbm>>
        %dma_wait3A_55 = tpu.memref_squeeze %dma_wait3A_54 : memref<1x1x50x80xi32, #tpu.memory_space<hbm>> -> memref<50x80xi32, #tpu.memory_space<hbm>>
        tpu.wait_dma2 semaphore(%run_scoped3A : memref<!tpu.dma_semaphore, #tpu.memory_space<semaphore_mem>>) src(%dma_wait3A_55 : memref<50x80xi32, #tpu.memory_space<hbm>>) dst(%arg9 : memref<50x80xi32, #tpu.memory_space<vmem>>)
        tpu.yield
      }) : () -> ()
      %dma_start3A = arith.constant 0 : i32
      %dma_start3A_24 = arith.constant 0 : i32
      %dma_start3A_25 = tpu.memref_slice %arg8[%dma_start3A, %dma_start3A_24] : memref<50x80xi32, #tpu.memory_space<vmem>> -> memref<1x80xi32, #tpu.memory_space<vmem>>
      %dma_start3A_26 = tpu.memref_squeeze %dma_start3A_25 : memref<1x80xi32, #tpu.memory_space<vmem>> -> memref<80xi32, #tpu.memory_space<vmem>>
      %dma_start3A_27 = arith.constant 0 : i32
      %dma_start3A_28 = arith.constant 0 : i32
      %dma_start3A_29 = tpu.memref_slice %arg2[%dma_start3A_27, %dma_start3A_28] : memref<20000x128xf32, #tpu.memory_space<hbm>> -> memref<20000x128xf32, #tpu.memory_space<hbm>>
      tpu.enqueue_indirect_dma source(%dma_start3A_29 : memref<20000x128xf32, #tpu.memory_space<hbm>>) target(%arg10 : memref<80x128xf32, #tpu.memory_space<vmem>>) offsets(%dma_start3A_26 : memref<80xi32, #tpu.memory_space<vmem>>) semaphore(%arg12 : memref<!tpu.dma_semaphore, #tpu.memory_space<semaphore_mem>>)
      %scan3A_30 = arith.constant 0 : i32
      %scan3A_31 = arith.constant 0 : i32
      %scan3A_32 = arith.constant 25 : i32
      %scan3A_33 = arith.addi %scan3A_31, %scan3A_32 : i32
      %scan3A_34 = arith.constant 1 : i32
      %scan3A_35 = scf.for %scan3A_44 = %scan3A_31 to %scan3A_33 step %scan3A_34 iter_args(%scan3A_45 = %scan3A_30) -> (i32)  : i32 {
        %mul3A_46 = arith.constant 2 : i32
        %mul3A_47 = arith.muli %mul3A_46, %scan3A_44 : i32
        %add3A_48 = arith.constant 1 : i32
        %add3A_49 = arith.addi %mul3A_47, %add3A_48 : i32
        %dma_wait3A_50 = arith.constant 0 : i32
        %dma_wait3A_51 = tpu.memref_slice %arg8[%mul3A_47, %dma_wait3A_50] : memref<50x80xi32, #tpu.memory_space<vmem>> -> memref<1x80xi32, #tpu.memory_space<vmem>>
        %dma_wait3A_52 = tpu.memref_squeeze %dma_wait3A_51 : memref<1x80xi32, #tpu.memory_space<vmem>> -> memref<80xi32, #tpu.memory_space<vmem>>
        %dma_wait3A_53 = arith.constant 0 : i32
        %dma_wait3A_54 = arith.constant 0 : i32
        %dma_wait3A_55 = tpu.memref_slice %arg2[%dma_wait3A_53, %dma_wait3A_54] : memref<20000x128xf32, #tpu.memory_space<hbm>> -> memref<20000x128xf32, #tpu.memory_space<hbm>>
        tpu.wait_indirect_dma semaphore(%arg12 : memref<!tpu.dma_semaphore, #tpu.memory_space<semaphore_mem>>) src(%dma_wait3A_55 : memref<20000x128xf32, #tpu.memory_space<hbm>>) dst(%arg10 : memref<80x128xf32, #tpu.memory_space<vmem>>)
        %dma_start3A_56 = arith.constant 0 : i32
        %dma_start3A_57 = tpu.memref_slice %arg9[%mul3A_47, %dma_start3A_56] : memref<50x80xi32, #tpu.memory_space<vmem>> -> memref<1x80xi32, #tpu.memory_space<vmem>>
        %dma_start3A_58 = tpu.memref_squeeze %dma_start3A_57 : memref<1x80xi32, #tpu.memory_space<vmem>> -> memref<80xi32, #tpu.memory_space<vmem>>
        %dma_start3A_59 = arith.constant 0 : i32
        %dma_start3A_60 = arith.constant 0 : i32
        %dma_start3A_61 = tpu.memref_slice %arg7[%dma_start3A_59, %dma_start3A_60] : memref<10008x128xf32, #tpu.memory_space<vmem_shared>> -> memref<10008x128xf32, #tpu.memory_space<vmem_shared>>
        tpu.enqueue_indirect_dma source(%arg10 : memref<80x128xf32, #tpu.memory_space<vmem>>) target(%dma_start3A_61 : memref<10008x128xf32, #tpu.memory_space<vmem_shared>>) offsets(%dma_start3A_58 : memref<80xi32, #tpu.memory_space<vmem>>) semaphore(%arg14 : memref<!tpu.dma_semaphore, #tpu.memory_space<semaphore_mem>>) {add = true}
        %gt3A = arith.constant 0 : i32
        %gt3A_62 = arith.cmpi sgt, %scan3A_44, %gt3A : i32
        %convert_element_type3A_63 = arith.extui %gt3A_62 : i1 to i32
        %cond3A_64 = arith.constant 0 : i32
        %cond3A_65 = arith.cmpi ne, %convert_element_type3A_63, %cond3A_64 : i32
        scf.if %cond3A_65 {
          %sub3A = arith.constant 2 : i32
          %sub3A_97 = arith.subi %add3A_49, %sub3A : i32
          %dma_wait3A_98 = arith.constant 0 : i32
          %dma_wait3A_99 = tpu.memref_slice %arg9[%sub3A_97, %dma_wait3A_98] : memref<50x80xi32, #tpu.memory_space<vmem>> -> memref<1x80xi32, #tpu.memory_space<vmem>>
          %dma_wait3A_100 = tpu.memref_squeeze %dma_wait3A_99 : memref<1x80xi32, #tpu.memory_space<vmem>> -> memref<80xi32, #tpu.memory_space<vmem>>
          %dma_wait3A_101 = arith.constant 0 : i32
          %dma_wait3A_102 = arith.constant 0 : i32
          %dma_wait3A_103 = tpu.memref_slice %arg7[%dma_wait3A_101, %dma_wait3A_102] : memref<10008x128xf32, #tpu.memory_space<vmem_shared>> -> memref<10008x128xf32, #tpu.memory_space<vmem_shared>>
          tpu.wait_indirect_dma semaphore(%arg15 : memref<!tpu.dma_semaphore, #tpu.memory_space<semaphore_mem>>) src(%arg11 : memref<80x128xf32, #tpu.memory_space<vmem>>) dst(%dma_wait3A_103 : memref<10008x128xf32, #tpu.memory_space<vmem_shared>>)
        } else {
        }
        %dma_start3A_66 = arith.constant 0 : i32
        %dma_start3A_67 = tpu.memref_slice %arg8[%add3A_49, %dma_start3A_66] : memref<50x80xi32, #tpu.memory_space<vmem>> -> memref<1x80xi32, #tpu.memory_space<vmem>>
        %dma_start3A_68 = tpu.memref_squeeze %dma_start3A_67 : memref<1x80xi32, #tpu.memory_space<vmem>> -> memref<80xi32, #tpu.memory_space<vmem>>
        %dma_start3A_69 = arith.constant 0 : i32
        %dma_start3A_70 = arith.constant 0 : i32
        %dma_start3A_71 = tpu.memref_slice %arg2[%dma_start3A_69, %dma_start3A_70] : memref<20000x128xf32, #tpu.memory_space<hbm>> -> memref<20000x128xf32, #tpu.memory_space<hbm>>
        tpu.enqueue_indirect_dma source(%dma_start3A_71 : memref<20000x128xf32, #tpu.memory_space<hbm>>) target(%arg11 : memref<80x128xf32, #tpu.memory_space<vmem>>) offsets(%dma_start3A_68 : memref<80xi32, #tpu.memory_space<vmem>>) semaphore(%arg13 : memref<!tpu.dma_semaphore, #tpu.memory_space<semaphore_mem>>)
        %dma_wait3A_72 = arith.constant 0 : i32
        %dma_wait3A_73 = tpu.memref_slice %arg8[%add3A_49, %dma_wait3A_72] : memref<50x80xi32, #tpu.memory_space<vmem>> -> memref<1x80xi32, #tpu.memory_space<vmem>>
        %dma_wait3A_74 = tpu.memref_squeeze %dma_wait3A_73 : memref<1x80xi32, #tpu.memory_space<vmem>> -> memref<80xi32, #tpu.memory_space<vmem>>
        %dma_wait3A_75 = arith.constant 0 : i32
        %dma_wait3A_76 = arith.constant 0 : i32
        %dma_wait3A_77 = tpu.memref_slice %arg2[%dma_wait3A_75, %dma_wait3A_76] : memref<20000x128xf32, #tpu.memory_space<hbm>> -> memref<20000x128xf32, #tpu.memory_space<hbm>>
        tpu.wait_indirect_dma semaphore(%arg13 : memref<!tpu.dma_semaphore, #tpu.memory_space<semaphore_mem>>) src(%dma_wait3A_77 : memref<20000x128xf32, #tpu.memory_space<hbm>>) dst(%arg11 : memref<80x128xf32, #tpu.memory_space<vmem>>)
        %dma_start3A_78 = arith.constant 0 : i32
        %dma_start3A_79 = tpu.memref_slice %arg9[%add3A_49, %dma_start3A_78] : memref<50x80xi32, #tpu.memory_space<vmem>> -> memref<1x80xi32, #tpu.memory_space<vmem>>
        %dma_start3A_80 = tpu.memref_squeeze %dma_start3A_79 : memref<1x80xi32, #tpu.memory_space<vmem>> -> memref<80xi32, #tpu.memory_space<vmem>>
        %dma_start3A_81 = arith.constant 0 : i32
        %dma_start3A_82 = arith.constant 0 : i32
        %dma_start3A_83 = tpu.memref_slice %arg7[%dma_start3A_81, %dma_start3A_82] : memref<10008x128xf32, #tpu.memory_space<vmem_shared>> -> memref<10008x128xf32, #tpu.memory_space<vmem_shared>>
        tpu.enqueue_indirect_dma source(%arg11 : memref<80x128xf32, #tpu.memory_space<vmem>>) target(%dma_start3A_83 : memref<10008x128xf32, #tpu.memory_space<vmem_shared>>) offsets(%dma_start3A_80 : memref<80xi32, #tpu.memory_space<vmem>>) semaphore(%arg15 : memref<!tpu.dma_semaphore, #tpu.memory_space<semaphore_mem>>) {add = true}
        %dma_wait3A_84 = arith.constant 0 : i32
        %dma_wait3A_85 = tpu.memref_slice %arg9[%mul3A_47, %dma_wait3A_84] : memref<50x80xi32, #tpu.memory_space<vmem>> -> memref<1x80xi32, #tpu.memory_space<vmem>>
        %dma_wait3A_86 = tpu.memref_squeeze %dma_wait3A_85 : memref<1x80xi32, #tpu.memory_space<vmem>> -> memref<80xi32, #tpu.memory_space<vmem>>
        %dma_wait3A_87 = arith.constant 0 : i32
        %dma_wait3A_88 = arith.constant 0 : i32
        %dma_wait3A_89 = tpu.memref_slice %arg7[%dma_wait3A_87, %dma_wait3A_88] : memref<10008x128xf32, #tpu.memory_space<vmem_shared>> -> memref<10008x128xf32, #tpu.memory_space<vmem_shared>>
        tpu.wait_indirect_dma semaphore(%arg14 : memref<!tpu.dma_semaphore, #tpu.memory_space<semaphore_mem>>) src(%arg10 : memref<80x128xf32, #tpu.memory_space<vmem>>) dst(%dma_wait3A_89 : memref<10008x128xf32, #tpu.memory_space<vmem_shared>>)
        %add3A_90 = arith.constant 1 : i32
        %add3A_91 = arith.addi %scan3A_44, %add3A_90 : i32
        %lt3A = arith.constant 25 : i32
        %lt3A_92 = arith.cmpi slt, %add3A_91, %lt3A : i32
        %convert_element_type3A_93 = arith.extui %lt3A_92 : i1 to i32
        %cond3A_94 = arith.constant 0 : i32
        %cond3A_95 = arith.cmpi ne, %convert_element_type3A_93, %cond3A_94 : i32
        scf.if %cond3A_95 {
          %add3A_97 = arith.constant 2 : i32
          %add3A_98 = arith.addi %mul3A_47, %add3A_97 : i32
          %dma_start3A_99 = arith.constant 0 : i32
          %dma_start3A_100 = tpu.memref_slice %arg8[%add3A_98, %dma_start3A_99] : memref<50x80xi32, #tpu.memory_space<vmem>> -> memref<1x80xi32, #tpu.memory_space<vmem>>
          %dma_start3A_101 = tpu.memref_squeeze %dma_start3A_100 : memref<1x80xi32, #tpu.memory_space<vmem>> -> memref<80xi32, #tpu.memory_space<vmem>>
          %dma_start3A_102 = arith.constant 0 : i32
          %dma_start3A_103 = arith.constant 0 : i32
          %dma_start3A_104 = tpu.memref_slice %arg2[%dma_start3A_102, %dma_start3A_103] : memref<20000x128xf32, #tpu.memory_space<hbm>> -> memref<20000x128xf32, #tpu.memory_space<hbm>>
          tpu.enqueue_indirect_dma source(%dma_start3A_104 : memref<20000x128xf32, #tpu.memory_space<hbm>>) target(%arg10 : memref<80x128xf32, #tpu.memory_space<vmem>>) offsets(%dma_start3A_101 : memref<80xi32, #tpu.memory_space<vmem>>) semaphore(%arg12 : memref<!tpu.dma_semaphore, #tpu.memory_space<semaphore_mem>>)
        } else {
        }
        %scan3A_96 = arith.constant 0 : i32
        scf.yield %scan3A_96 : i32
      }
      %scan3A_36 = arith.constant 25 : i32
      %dma_wait3A = arith.constant 49 : i32
      %dma_wait3A_37 = arith.constant 0 : i32
      %dma_wait3A_38 = tpu.memref_slice %arg9[%dma_wait3A, %dma_wait3A_37] : memref<50x80xi32, #tpu.memory_space<vmem>> -> memref<1x80xi32, #tpu.memory_space<vmem>>
      %dma_wait3A_39 = tpu.memref_squeeze %dma_wait3A_38 : memref<1x80xi32, #tpu.memory_space<vmem>> -> memref<80xi32, #tpu.memory_space<vmem>>
      %dma_wait3A_40 = arith.constant 0 : i32
      %dma_wait3A_41 = arith.constant 0 : i32
      %dma_wait3A_42 = tpu.memref_slice %arg7[%dma_wait3A_40, %dma_wait3A_41] : memref<10008x128xf32, #tpu.memory_space<vmem_shared>> -> memref<10008x128xf32, #tpu.memory_space<vmem_shared>>
      tpu.wait_indirect_dma semaphore(%arg15 : memref<!tpu.dma_semaphore, #tpu.memory_space<semaphore_mem>>) src(%arg11 : memref<80x128xf32, #tpu.memory_space<vmem>>) dst(%dma_wait3A_42 : memref<10008x128xf32, #tpu.memory_space<vmem_shared>>)
      %scan3A_43 = arith.constant 0 : i32
      scf.yield %scan3A_43 : i32
    }
    %scan3A_10 = arith.constant 5 : i32
    %barrier3A_11 = arith.constant 0 : index
    tpu.barrier barrier_id(%barrier3A_11)
    %mul3A_12 = arith.constant 625 : i32
    %mul3A_13 = arith.muli %arg1, %mul3A_12 : i32
    %mul3A_14 = arith.constant 10000 : i32
    %mul3A_15 = arith.muli %arg0, %mul3A_14 : i32
    %mul3A_16 = arith.constant 625 : i32
    %mul3A_17 = arith.muli %arg1, %mul3A_16 : i32
    %add3A = arith.addi %mul3A_15, %mul3A_17 : i32
    "tpu.region"() ({
      %run_scoped3A = tpu.sem_alloc : memref<!tpu.dma_semaphore, #tpu.memory_space<semaphore_mem>>
      %dma_start3A = arith.constant 0 : i32
      %dma_start3A_18 = tpu.memref_slice %arg6[%add3A, %dma_start3A] : memref<20000x128xf32, #tpu.memory_space<hbm>> -> memref<625x128xf32, #tpu.memory_space<hbm>>
      %dma_start3A_19 = arith.constant 0 : i32
      %dma_start3A_20 = tpu.memref_slice %arg7[%mul3A_13, %dma_start3A_19] : memref<10008x128xf32, #tpu.memory_space<vmem_shared>> -> memref<625x128xf32, #tpu.memory_space<vmem_shared>>
      tpu.enqueue_dma source(%dma_start3A_20 : memref<625x128xf32, #tpu.memory_space<vmem_shared>>) target(%dma_start3A_18 : memref<625x128xf32, #tpu.memory_space<hbm>>) target_semaphore(%run_scoped3A : memref<!tpu.dma_semaphore, #tpu.memory_space<semaphore_mem>>)
      %dma_wait3A = arith.constant 0 : i32
      %dma_wait3A_21 = tpu.memref_slice %arg6[%add3A, %dma_wait3A] : memref<20000x128xf32, #tpu.memory_space<hbm>> -> memref<625x128xf32, #tpu.memory_space<hbm>>
      %dma_wait3A_22 = arith.constant 0 : i32
      %dma_wait3A_23 = tpu.memref_slice %arg7[%mul3A_13, %dma_wait3A_22] : memref<10008x128xf32, #tpu.memory_space<vmem_shared>> -> memref<625x128xf32, #tpu.memory_space<vmem_shared>>
      tpu.wait_dma2 semaphore(%run_scoped3A : memref<!tpu.dma_semaphore, #tpu.memory_space<semaphore_mem>>) src(%dma_wait3A_23 : memref<625x128xf32, #tpu.memory_space<vmem_shared>>) dst(%dma_wait3A_21 : memref<625x128xf32, #tpu.memory_space<hbm>>)
      tpu.yield
    }) : () -> ()
    return
  }
}

#map = affine_map<(d0, d1) -> (0, 0, 0, 0)>
#map1 = affine_map<(d0, d1) -> (0, 0)>
module attributes {stable_mosaic.version = 14 : i64} {
  func.func @_deg_body(%arg0: i32, %arg1: i32, %arg2: memref<2x16x250x80xi32, #tpu.memory_space<hbm>>, %arg3: memref<80x16xf32, #tpu.memory_space<hbm>>, %arg4: memref<10000x16xf32, #tpu.memory_space<hbm>>, %arg5: memref<20000x16xf32, #tpu.memory_space<hbm>>, %arg6: memref<10008x16xf32, #tpu.memory_space<vmem_shared>>, %arg7: memref<50x80xi32, #tpu.memory_space<vmem>>, %arg8: memref<80x16xf32, #tpu.memory_space<vmem>>) attributes {dimension_semantics = [#tpu.dimension_semantics<core_parallel>, #tpu.dimension_semantics<subcore_parallel>], iteration_bounds = array<i64: 2, 16>, scalar_prefetch = 0 : i64, scratch_operands = 3 : i64, tpu.core_type = #tpu.core_type<sc_vector_subcore>, window_params = [{transform_indices = #map}, {transform_indices = #map1}, {transform_indices = #map1}, {transform_indices = #map1}]} {
    %mul3A = arith.constant 625 : i32
    %mul3A_0 = arith.muli %arg1, %mul3A : i32
    %mul3A_1 = arith.constant 625 : i32
    %mul3A_2 = arith.muli %arg1, %mul3A_1 : i32
    "tpu.region"() ({
      %run_scoped3A = tpu.sem_alloc : memref<!tpu.dma_semaphore, #tpu.memory_space<semaphore_mem>>
      %dma_start3A = arith.constant 0 : i32
      %dma_start3A_18 = tpu.memref_slice %arg6[%mul3A_2, %dma_start3A] : memref<10008x16xf32, #tpu.memory_space<vmem_shared>> -> memref<625x16xf32, #tpu.memory_space<vmem_shared>>
      %dma_start3A_19 = arith.constant 0 : i32
      %dma_start3A_20 = tpu.memref_slice %arg4[%mul3A_0, %dma_start3A_19] : memref<10000x16xf32, #tpu.memory_space<hbm>> -> memref<625x16xf32, #tpu.memory_space<hbm>>
      tpu.enqueue_dma source(%dma_start3A_20 : memref<625x16xf32, #tpu.memory_space<hbm>>) target(%dma_start3A_18 : memref<625x16xf32, #tpu.memory_space<vmem_shared>>) target_semaphore(%run_scoped3A : memref<!tpu.dma_semaphore, #tpu.memory_space<semaphore_mem>>)
      %dma_wait3A = arith.constant 0 : i32
      %dma_wait3A_21 = tpu.memref_slice %arg6[%mul3A_2, %dma_wait3A] : memref<10008x16xf32, #tpu.memory_space<vmem_shared>> -> memref<625x16xf32, #tpu.memory_space<vmem_shared>>
      %dma_wait3A_22 = arith.constant 0 : i32
      %dma_wait3A_23 = tpu.memref_slice %arg4[%mul3A_0, %dma_wait3A_22] : memref<10000x16xf32, #tpu.memory_space<hbm>> -> memref<625x16xf32, #tpu.memory_space<hbm>>
      tpu.wait_dma2 semaphore(%run_scoped3A : memref<!tpu.dma_semaphore, #tpu.memory_space<semaphore_mem>>) src(%dma_wait3A_23 : memref<625x16xf32, #tpu.memory_space<hbm>>) dst(%dma_wait3A_21 : memref<625x16xf32, #tpu.memory_space<vmem_shared>>)
      tpu.yield
    }) : () -> ()
    %eq3A = arith.constant 0 : i32
    %eq3A_3 = arith.cmpi eq, %arg1, %eq3A : i32
    %convert_element_type3A = arith.extui %eq3A_3 : i1 to i32
    %cond3A = arith.constant 0 : i32
    %cond3A_4 = arith.cmpi ne, %convert_element_type3A, %cond3A : i32
    scf.if %cond3A_4 {
      "tpu.region"() ({
        %run_scoped3A = tpu.sem_alloc : memref<!tpu.dma_semaphore, #tpu.memory_space<semaphore_mem>>
        %dma_start3A = arith.constant 10000 : i32
        %dma_start3A_18 = arith.constant 0 : i32
        %dma_start3A_19 = tpu.memref_slice %arg6[%dma_start3A, %dma_start3A_18] : memref<10008x16xf32, #tpu.memory_space<vmem_shared>> -> memref<8x16xf32, #tpu.memory_space<vmem_shared>>
        %dma_start3A_20 = arith.constant 0 : i32
        %dma_start3A_21 = arith.constant 0 : i32
        %dma_start3A_22 = tpu.memref_slice %arg4[%dma_start3A_20, %dma_start3A_21] : memref<10000x16xf32, #tpu.memory_space<hbm>> -> memref<8x16xf32, #tpu.memory_space<hbm>>
        tpu.enqueue_dma source(%dma_start3A_22 : memref<8x16xf32, #tpu.memory_space<hbm>>) target(%dma_start3A_19 : memref<8x16xf32, #tpu.memory_space<vmem_shared>>) target_semaphore(%run_scoped3A : memref<!tpu.dma_semaphore, #tpu.memory_space<semaphore_mem>>)
        %dma_wait3A = arith.constant 10000 : i32
        %dma_wait3A_23 = arith.constant 0 : i32
        %dma_wait3A_24 = tpu.memref_slice %arg6[%dma_wait3A, %dma_wait3A_23] : memref<10008x16xf32, #tpu.memory_space<vmem_shared>> -> memref<8x16xf32, #tpu.memory_space<vmem_shared>>
        %dma_wait3A_25 = arith.constant 0 : i32
        %dma_wait3A_26 = arith.constant 0 : i32
        %dma_wait3A_27 = tpu.memref_slice %arg4[%dma_wait3A_25, %dma_wait3A_26] : memref<10000x16xf32, #tpu.memory_space<hbm>> -> memref<8x16xf32, #tpu.memory_space<hbm>>
        tpu.wait_dma2 semaphore(%run_scoped3A : memref<!tpu.dma_semaphore, #tpu.memory_space<semaphore_mem>>) src(%dma_wait3A_27 : memref<8x16xf32, #tpu.memory_space<hbm>>) dst(%dma_wait3A_24 : memref<8x16xf32, #tpu.memory_space<vmem_shared>>)
        tpu.yield
      }) : () -> ()
    } else {
    }
    "tpu.region"() ({
      %run_scoped3A = tpu.sem_alloc : memref<!tpu.dma_semaphore, #tpu.memory_space<semaphore_mem>>
      tpu.enqueue_dma source(%arg3 : memref<80x16xf32, #tpu.memory_space<hbm>>) target(%arg8 : memref<80x16xf32, #tpu.memory_space<vmem>>) target_semaphore(%run_scoped3A : memref<!tpu.dma_semaphore, #tpu.memory_space<semaphore_mem>>)
      tpu.wait_dma2 semaphore(%run_scoped3A : memref<!tpu.dma_semaphore, #tpu.memory_space<semaphore_mem>>) src(%arg3 : memref<80x16xf32, #tpu.memory_space<hbm>>) dst(%arg8 : memref<80x16xf32, #tpu.memory_space<vmem>>)
      tpu.yield
    }) : () -> ()
    %barrier3A = arith.constant 0 : index
    tpu.barrier barrier_id(%barrier3A)
    %scan3A = arith.constant 0 : i32
    %scan3A_5 = arith.constant 0 : i32
    %scan3A_6 = arith.constant 5 : i32
    %scan3A_7 = arith.addi %scan3A_5, %scan3A_6 : i32
    %scan3A_8 = arith.constant 1 : i32
    %scan3A_9 = scf.for %scan3A_18 = %scan3A_5 to %scan3A_7 step %scan3A_8 iter_args(%scan3A_19 = %scan3A) -> (i32)  : i32 {
      %mul3A_20 = arith.constant 50 : i32
      %mul3A_21 = arith.muli %scan3A_18, %mul3A_20 : i32
      "tpu.region"() ({
        %run_scoped3A = tpu.sem_alloc : memref<!tpu.dma_semaphore, #tpu.memory_space<semaphore_mem>>
        %dma_start3A = arith.constant 0 : i32
        %dma_start3A_30 = tpu.memref_slice %arg2[%arg0, %arg1, %mul3A_21, %dma_start3A] : memref<2x16x250x80xi32, #tpu.memory_space<hbm>> -> memref<1x1x50x80xi32, #tpu.memory_space<hbm>>
        %dma_start3A_31 = tpu.memref_squeeze %dma_start3A_30 : memref<1x1x50x80xi32, #tpu.memory_space<hbm>> -> memref<50x80xi32, #tpu.memory_space<hbm>>
        %dma_start3A_32 = arith.constant 0 : i32
        %dma_start3A_33 = tpu.memref_slice %arg2[%arg0, %arg1, %mul3A_21, %dma_start3A_32] : memref<2x16x250x80xi32, #tpu.memory_space<hbm>> -> memref<1x1x50x80xi32, #tpu.memory_space<hbm>>
        %dma_start3A_34 = tpu.memref_squeeze %dma_start3A_33 : memref<1x1x50x80xi32, #tpu.memory_space<hbm>> -> memref<50x80xi32, #tpu.memory_space<hbm>>
        tpu.enqueue_dma source(%dma_start3A_34 : memref<50x80xi32, #tpu.memory_space<hbm>>) target(%arg7 : memref<50x80xi32, #tpu.memory_space<vmem>>) target_semaphore(%run_scoped3A : memref<!tpu.dma_semaphore, #tpu.memory_space<semaphore_mem>>)
        %dma_wait3A = arith.constant 0 : i32
        %dma_wait3A_35 = tpu.memref_slice %arg2[%arg0, %arg1, %mul3A_21, %dma_wait3A] : memref<2x16x250x80xi32, #tpu.memory_space<hbm>> -> memref<1x1x50x80xi32, #tpu.memory_space<hbm>>
        %dma_wait3A_36 = tpu.memref_squeeze %dma_wait3A_35 : memref<1x1x50x80xi32, #tpu.memory_space<hbm>> -> memref<50x80xi32, #tpu.memory_space<hbm>>
        %dma_wait3A_37 = arith.constant 0 : i32
        %dma_wait3A_38 = tpu.memref_slice %arg2[%arg0, %arg1, %mul3A_21, %dma_wait3A_37] : memref<2x16x250x80xi32, #tpu.memory_space<hbm>> -> memref<1x1x50x80xi32, #tpu.memory_space<hbm>>
        %dma_wait3A_39 = tpu.memref_squeeze %dma_wait3A_38 : memref<1x1x50x80xi32, #tpu.memory_space<hbm>> -> memref<50x80xi32, #tpu.memory_space<hbm>>
        tpu.wait_dma2 semaphore(%run_scoped3A : memref<!tpu.dma_semaphore, #tpu.memory_space<semaphore_mem>>) src(%dma_wait3A_39 : memref<50x80xi32, #tpu.memory_space<hbm>>) dst(%arg7 : memref<50x80xi32, #tpu.memory_space<vmem>>)
        tpu.yield
      }) : () -> ()
      %scan3A_22 = arith.constant 0 : i32
      %scan3A_23 = arith.constant 0 : i32
      %scan3A_24 = arith.constant 50 : i32
      %scan3A_25 = arith.addi %scan3A_23, %scan3A_24 : i32
      %scan3A_26 = arith.constant 1 : i32
      %scan3A_27 = scf.for %scan3A_30 = %scan3A_23 to %scan3A_25 step %scan3A_26 iter_args(%scan3A_31 = %scan3A_22) -> (i32)  : i32 {
        "tpu.region"() ({
          %run_scoped3A = tpu.sem_alloc : memref<!tpu.dma_semaphore, #tpu.memory_space<semaphore_mem>>
          %dma_start3A = arith.constant 0 : i32
          %dma_start3A_33 = tpu.memref_slice %arg7[%scan3A_30, %dma_start3A] : memref<50x80xi32, #tpu.memory_space<vmem>> -> memref<1x80xi32, #tpu.memory_space<vmem>>
          %dma_start3A_34 = tpu.memref_squeeze %dma_start3A_33 : memref<1x80xi32, #tpu.memory_space<vmem>> -> memref<80xi32, #tpu.memory_space<vmem>>
          %dma_start3A_35 = arith.constant 0 : i32
          %dma_start3A_36 = arith.constant 0 : i32
          %dma_start3A_37 = tpu.memref_slice %arg6[%dma_start3A_35, %dma_start3A_36] : memref<10008x16xf32, #tpu.memory_space<vmem_shared>> -> memref<10008x16xf32, #tpu.memory_space<vmem_shared>>
          tpu.enqueue_indirect_dma source(%arg8 : memref<80x16xf32, #tpu.memory_space<vmem>>) target(%dma_start3A_37 : memref<10008x16xf32, #tpu.memory_space<vmem_shared>>) offsets(%dma_start3A_34 : memref<80xi32, #tpu.memory_space<vmem>>) semaphore(%run_scoped3A : memref<!tpu.dma_semaphore, #tpu.memory_space<semaphore_mem>>) {add = true}
          %dma_wait3A = arith.constant 0 : i32
          %dma_wait3A_38 = tpu.memref_slice %arg7[%scan3A_30, %dma_wait3A] : memref<50x80xi32, #tpu.memory_space<vmem>> -> memref<1x80xi32, #tpu.memory_space<vmem>>
          %dma_wait3A_39 = tpu.memref_squeeze %dma_wait3A_38 : memref<1x80xi32, #tpu.memory_space<vmem>> -> memref<80xi32, #tpu.memory_space<vmem>>
          %dma_wait3A_40 = arith.constant 0 : i32
          %dma_wait3A_41 = arith.constant 0 : i32
          %dma_wait3A_42 = tpu.memref_slice %arg6[%dma_wait3A_40, %dma_wait3A_41] : memref<10008x16xf32, #tpu.memory_space<vmem_shared>> -> memref<10008x16xf32, #tpu.memory_space<vmem_shared>>
          tpu.wait_indirect_dma semaphore(%run_scoped3A : memref<!tpu.dma_semaphore, #tpu.memory_space<semaphore_mem>>) src(%arg8 : memref<80x16xf32, #tpu.memory_space<vmem>>) dst(%dma_wait3A_42 : memref<10008x16xf32, #tpu.memory_space<vmem_shared>>)
          tpu.yield
        }) : () -> ()
        %scan3A_32 = arith.constant 0 : i32
        scf.yield %scan3A_32 : i32
      }
      %scan3A_28 = arith.constant 50 : i32
      %scan3A_29 = arith.constant 0 : i32
      scf.yield %scan3A_29 : i32
    }
    %scan3A_10 = arith.constant 5 : i32
    %barrier3A_11 = arith.constant 0 : index
    tpu.barrier barrier_id(%barrier3A_11)
    %mul3A_12 = arith.constant 625 : i32
    %mul3A_13 = arith.muli %arg1, %mul3A_12 : i32
    %mul3A_14 = arith.constant 10000 : i32
    %mul3A_15 = arith.muli %arg0, %mul3A_14 : i32
    %mul3A_16 = arith.constant 625 : i32
    %mul3A_17 = arith.muli %arg1, %mul3A_16 : i32
    %add3A = arith.addi %mul3A_15, %mul3A_17 : i32
    "tpu.region"() ({
      %run_scoped3A = tpu.sem_alloc : memref<!tpu.dma_semaphore, #tpu.memory_space<semaphore_mem>>
      %dma_start3A = arith.constant 0 : i32
      %dma_start3A_18 = tpu.memref_slice %arg5[%add3A, %dma_start3A] : memref<20000x16xf32, #tpu.memory_space<hbm>> -> memref<625x16xf32, #tpu.memory_space<hbm>>
      %dma_start3A_19 = arith.constant 0 : i32
      %dma_start3A_20 = tpu.memref_slice %arg6[%mul3A_13, %dma_start3A_19] : memref<10008x16xf32, #tpu.memory_space<vmem_shared>> -> memref<625x16xf32, #tpu.memory_space<vmem_shared>>
      tpu.enqueue_dma source(%dma_start3A_20 : memref<625x16xf32, #tpu.memory_space<vmem_shared>>) target(%dma_start3A_18 : memref<625x16xf32, #tpu.memory_space<hbm>>) target_semaphore(%run_scoped3A : memref<!tpu.dma_semaphore, #tpu.memory_space<semaphore_mem>>)
      %dma_wait3A = arith.constant 0 : i32
      %dma_wait3A_21 = tpu.memref_slice %arg5[%add3A, %dma_wait3A] : memref<20000x16xf32, #tpu.memory_space<hbm>> -> memref<625x16xf32, #tpu.memory_space<hbm>>
      %dma_wait3A_22 = arith.constant 0 : i32
      %dma_wait3A_23 = tpu.memref_slice %arg6[%mul3A_13, %dma_wait3A_22] : memref<10008x16xf32, #tpu.memory_space<vmem_shared>> -> memref<625x16xf32, #tpu.memory_space<vmem_shared>>
      tpu.wait_dma2 semaphore(%run_scoped3A : memref<!tpu.dma_semaphore, #tpu.memory_space<semaphore_mem>>) src(%dma_wait3A_23 : memref<625x16xf32, #tpu.memory_space<vmem_shared>>) dst(%dma_wait3A_21 : memref<625x16xf32, #tpu.memory_space<hbm>>)
      tpu.yield
    }) : () -> ()
    return
  }
}

#map = affine_map<(d0, d1) -> (0, 0)>
#map1 = affine_map<(d0, d1) -> (0, 0, 0, 0)>
module attributes {stable_mosaic.version = 14 : i64} {
  func.func @_msg_body(%arg0: i32, %arg1: i32, %arg2: memref<20000x128xf32, #tpu.memory_space<hbm>>, %arg3: memref<2x16x250x80xi32, #tpu.memory_space<hbm>>, %arg4: memref<2x16x250x80xi32, #tpu.memory_space<hbm>>, %arg5: memref<10000x128xf32, #tpu.memory_space<hbm>>, %arg6: memref<20000x128xf32, #tpu.memory_space<hbm>>, %arg7: memref<10008x128xf32, #tpu.memory_space<vmem_shared>>, %arg8: memref<50x80xi32, #tpu.memory_space<vmem>>, %arg9: memref<50x80xi32, #tpu.memory_space<vmem>>, %arg10: memref<80x128xf32, #tpu.memory_space<vmem>>, %arg11: memref<80x128xf32, #tpu.memory_space<vmem>>, %arg12: memref<!tpu.dma_semaphore, #tpu.memory_space<semaphore_mem>>, %arg13: memref<!tpu.dma_semaphore, #tpu.memory_space<semaphore_mem>>, %arg14: memref<!tpu.dma_semaphore, #tpu.memory_space<semaphore_mem>>, %arg15: memref<!tpu.dma_semaphore, #tpu.memory_space<semaphore_mem>>) attributes {dimension_semantics = [#tpu.dimension_semantics<core_parallel>, #tpu.dimension_semantics<subcore_parallel>], iteration_bounds = array<i64: 2, 16>, scalar_prefetch = 0 : i64, scratch_operands = 9 : i64, tpu.core_type = #tpu.core_type<sc_vector_subcore>, window_params = [{transform_indices = #map}, {transform_indices = #map1}, {transform_indices = #map1}, {transform_indices = #map}, {transform_indices = #map}]} {
    %mul3A = arith.constant 625 : i32
    %mul3A_0 = arith.muli %arg1, %mul3A : i32
    %mul3A_1 = arith.constant 625 : i32
    %mul3A_2 = arith.muli %arg1, %mul3A_1 : i32
    "tpu.region"() ({
      %run_scoped3A = tpu.sem_alloc : memref<!tpu.dma_semaphore, #tpu.memory_space<semaphore_mem>>
      %dma_start3A = arith.constant 0 : i32
      %dma_start3A_18 = tpu.memref_slice %arg7[%mul3A_2, %dma_start3A] : memref<10008x128xf32, #tpu.memory_space<vmem_shared>> -> memref<625x128xf32, #tpu.memory_space<vmem_shared>>
      %dma_start3A_19 = arith.constant 0 : i32
      %dma_start3A_20 = tpu.memref_slice %arg5[%mul3A_0, %dma_start3A_19] : memref<10000x128xf32, #tpu.memory_space<hbm>> -> memref<625x128xf32, #tpu.memory_space<hbm>>
      tpu.enqueue_dma source(%dma_start3A_20 : memref<625x128xf32, #tpu.memory_space<hbm>>) target(%dma_start3A_18 : memref<625x128xf32, #tpu.memory_space<vmem_shared>>) target_semaphore(%run_scoped3A : memref<!tpu.dma_semaphore, #tpu.memory_space<semaphore_mem>>)
      %dma_wait3A = arith.constant 0 : i32
      %dma_wait3A_21 = tpu.memref_slice %arg7[%mul3A_2, %dma_wait3A] : memref<10008x128xf32, #tpu.memory_space<vmem_shared>> -> memref<625x128xf32, #tpu.memory_space<vmem_shared>>
      %dma_wait3A_22 = arith.constant 0 : i32
      %dma_wait3A_23 = tpu.memref_slice %arg5[%mul3A_0, %dma_wait3A_22] : memref<10000x128xf32, #tpu.memory_space<hbm>> -> memref<625x128xf32, #tpu.memory_space<hbm>>
      tpu.wait_dma2 semaphore(%run_scoped3A : memref<!tpu.dma_semaphore, #tpu.memory_space<semaphore_mem>>) src(%dma_wait3A_23 : memref<625x128xf32, #tpu.memory_space<hbm>>) dst(%dma_wait3A_21 : memref<625x128xf32, #tpu.memory_space<vmem_shared>>)
      tpu.yield
    }) : () -> ()
    %eq3A = arith.constant 0 : i32
    %eq3A_3 = arith.cmpi eq, %arg1, %eq3A : i32
    %convert_element_type3A = arith.extui %eq3A_3 : i1 to i32
    %cond3A = arith.constant 0 : i32
    %cond3A_4 = arith.cmpi ne, %convert_element_type3A, %cond3A : i32
    scf.if %cond3A_4 {
      "tpu.region"() ({
        %run_scoped3A = tpu.sem_alloc : memref<!tpu.dma_semaphore, #tpu.memory_space<semaphore_mem>>
        %dma_start3A = arith.constant 10000 : i32
        %dma_start3A_18 = arith.constant 0 : i32
        %dma_start3A_19 = tpu.memref_slice %arg7[%dma_start3A, %dma_start3A_18] : memref<10008x128xf32, #tpu.memory_space<vmem_shared>> -> memref<8x128xf32, #tpu.memory_space<vmem_shared>>
        %dma_start3A_20 = arith.constant 0 : i32
        %dma_start3A_21 = arith.constant 0 : i32
        %dma_start3A_22 = tpu.memref_slice %arg5[%dma_start3A_20, %dma_start3A_21] : memref<10000x128xf32, #tpu.memory_space<hbm>> -> memref<8x128xf32, #tpu.memory_space<hbm>>
        tpu.enqueue_dma source(%dma_start3A_22 : memref<8x128xf32, #tpu.memory_space<hbm>>) target(%dma_start3A_19 : memref<8x128xf32, #tpu.memory_space<vmem_shared>>) target_semaphore(%run_scoped3A : memref<!tpu.dma_semaphore, #tpu.memory_space<semaphore_mem>>)
        %dma_wait3A = arith.constant 10000 : i32
        %dma_wait3A_23 = arith.constant 0 : i32
        %dma_wait3A_24 = tpu.memref_slice %arg7[%dma_wait3A, %dma_wait3A_23] : memref<10008x128xf32, #tpu.memory_space<vmem_shared>> -> memref<8x128xf32, #tpu.memory_space<vmem_shared>>
        %dma_wait3A_25 = arith.constant 0 : i32
        %dma_wait3A_26 = arith.constant 0 : i32
        %dma_wait3A_27 = tpu.memref_slice %arg5[%dma_wait3A_25, %dma_wait3A_26] : memref<10000x128xf32, #tpu.memory_space<hbm>> -> memref<8x128xf32, #tpu.memory_space<hbm>>
        tpu.wait_dma2 semaphore(%run_scoped3A : memref<!tpu.dma_semaphore, #tpu.memory_space<semaphore_mem>>) src(%dma_wait3A_27 : memref<8x128xf32, #tpu.memory_space<hbm>>) dst(%dma_wait3A_24 : memref<8x128xf32, #tpu.memory_space<vmem_shared>>)
        tpu.yield
      }) : () -> ()
    } else {
    }
    %barrier3A = arith.constant 0 : index
    tpu.barrier barrier_id(%barrier3A)
    %scan3A = arith.constant 0 : i32
    %scan3A_5 = arith.constant 0 : i32
    %scan3A_6 = arith.constant 5 : i32
    %scan3A_7 = arith.addi %scan3A_5, %scan3A_6 : i32
    %scan3A_8 = arith.constant 1 : i32
    %scan3A_9 = scf.for %scan3A_18 = %scan3A_5 to %scan3A_7 step %scan3A_8 iter_args(%scan3A_19 = %scan3A) -> (i32)  : i32 {
      %mul3A_20 = arith.constant 50 : i32
      %mul3A_21 = arith.muli %scan3A_18, %mul3A_20 : i32
      "tpu.region"() ({
        %run_scoped3A = tpu.sem_alloc : memref<!tpu.dma_semaphore, #tpu.memory_space<semaphore_mem>>
        %dma_start3A_44 = arith.constant 0 : i32
        %dma_start3A_45 = tpu.memref_slice %arg3[%arg0, %arg1, %mul3A_21, %dma_start3A_44] : memref<2x16x250x80xi32, #tpu.memory_space<hbm>> -> memref<1x1x50x80xi32, #tpu.memory_space<hbm>>
        %dma_start3A_46 = tpu.memref_squeeze %dma_start3A_45 : memref<1x1x50x80xi32, #tpu.memory_space<hbm>> -> memref<50x80xi32, #tpu.memory_space<hbm>>
        %dma_start3A_47 = arith.constant 0 : i32
        %dma_start3A_48 = tpu.memref_slice %arg3[%arg0, %arg1, %mul3A_21, %dma_start3A_47] : memref<2x16x250x80xi32, #tpu.memory_space<hbm>> -> memref<1x1x50x80xi32, #tpu.memory_space<hbm>>
        %dma_start3A_49 = tpu.memref_squeeze %dma_start3A_48 : memref<1x1x50x80xi32, #tpu.memory_space<hbm>> -> memref<50x80xi32, #tpu.memory_space<hbm>>
        tpu.enqueue_dma source(%dma_start3A_49 : memref<50x80xi32, #tpu.memory_space<hbm>>) target(%arg8 : memref<50x80xi32, #tpu.memory_space<vmem>>) target_semaphore(%run_scoped3A : memref<!tpu.dma_semaphore, #tpu.memory_space<semaphore_mem>>)
        %dma_wait3A_50 = arith.constant 0 : i32
        %dma_wait3A_51 = tpu.memref_slice %arg3[%arg0, %arg1, %mul3A_21, %dma_wait3A_50] : memref<2x16x250x80xi32, #tpu.memory_space<hbm>> -> memref<1x1x50x80xi32, #tpu.memory_space<hbm>>
        %dma_wait3A_52 = tpu.memref_squeeze %dma_wait3A_51 : memref<1x1x50x80xi32, #tpu.memory_space<hbm>> -> memref<50x80xi32, #tpu.memory_space<hbm>>
        %dma_wait3A_53 = arith.constant 0 : i32
        %dma_wait3A_54 = tpu.memref_slice %arg3[%arg0, %arg1, %mul3A_21, %dma_wait3A_53] : memref<2x16x250x80xi32, #tpu.memory_space<hbm>> -> memref<1x1x50x80xi32, #tpu.memory_space<hbm>>
        %dma_wait3A_55 = tpu.memref_squeeze %dma_wait3A_54 : memref<1x1x50x80xi32, #tpu.memory_space<hbm>> -> memref<50x80xi32, #tpu.memory_space<hbm>>
        tpu.wait_dma2 semaphore(%run_scoped3A : memref<!tpu.dma_semaphore, #tpu.memory_space<semaphore_mem>>) src(%dma_wait3A_55 : memref<50x80xi32, #tpu.memory_space<hbm>>) dst(%arg8 : memref<50x80xi32, #tpu.memory_space<vmem>>)
        tpu.yield
      }) : () -> ()
      %mul3A_22 = arith.constant 50 : i32
      %mul3A_23 = arith.muli %scan3A_18, %mul3A_22 : i32
      "tpu.region"() ({
        %run_scoped3A = tpu.sem_alloc : memref<!tpu.dma_semaphore, #tpu.memory_space<semaphore_mem>>
        %dma_start3A_44 = arith.constant 0 : i32
        %dma_start3A_45 = tpu.memref_slice %arg4[%arg0, %arg1, %mul3A_23, %dma_start3A_44] : memref<2x16x250x80xi32, #tpu.memory_space<hbm>> -> memref<1x1x50x80xi32, #tpu.memory_space<hbm>>
        %dma_start3A_46 = tpu.memref_squeeze %dma_start3A_45 : memref<1x1x50x80xi32, #tpu.memory_space<hbm>> -> memref<50x80xi32, #tpu.memory_space<hbm>>
        %dma_start3A_47 = arith.constant 0 : i32
        %dma_start3A_48 = tpu.memref_slice %arg4[%arg0, %arg1, %mul3A_23, %dma_start3A_47] : memref<2x16x250x80xi32, #tpu.memory_space<hbm>> -> memref<1x1x50x80xi32, #tpu.memory_space<hbm>>
        %dma_start3A_49 = tpu.memref_squeeze %dma_start3A_48 : memref<1x1x50x80xi32, #tpu.memory_space<hbm>> -> memref<50x80xi32, #tpu.memory_space<hbm>>
        tpu.enqueue_dma source(%dma_start3A_49 : memref<50x80xi32, #tpu.memory_space<hbm>>) target(%arg9 : memref<50x80xi32, #tpu.memory_space<vmem>>) target_semaphore(%run_scoped3A : memref<!tpu.dma_semaphore, #tpu.memory_space<semaphore_mem>>)
        %dma_wait3A_50 = arith.constant 0 : i32
        %dma_wait3A_51 = tpu.memref_slice %arg4[%arg0, %arg1, %mul3A_23, %dma_wait3A_50] : memref<2x16x250x80xi32, #tpu.memory_space<hbm>> -> memref<1x1x50x80xi32, #tpu.memory_space<hbm>>
        %dma_wait3A_52 = tpu.memref_squeeze %dma_wait3A_51 : memref<1x1x50x80xi32, #tpu.memory_space<hbm>> -> memref<50x80xi32, #tpu.memory_space<hbm>>
        %dma_wait3A_53 = arith.constant 0 : i32
        %dma_wait3A_54 = tpu.memref_slice %arg4[%arg0, %arg1, %mul3A_23, %dma_wait3A_53] : memref<2x16x250x80xi32, #tpu.memory_space<hbm>> -> memref<1x1x50x80xi32, #tpu.memory_space<hbm>>
        %dma_wait3A_55 = tpu.memref_squeeze %dma_wait3A_54 : memref<1x1x50x80xi32, #tpu.memory_space<hbm>> -> memref<50x80xi32, #tpu.memory_space<hbm>>
        tpu.wait_dma2 semaphore(%run_scoped3A : memref<!tpu.dma_semaphore, #tpu.memory_space<semaphore_mem>>) src(%dma_wait3A_55 : memref<50x80xi32, #tpu.memory_space<hbm>>) dst(%arg9 : memref<50x80xi32, #tpu.memory_space<vmem>>)
        tpu.yield
      }) : () -> ()
      %dma_start3A = arith.constant 0 : i32
      %dma_start3A_24 = arith.constant 0 : i32
      %dma_start3A_25 = tpu.memref_slice %arg8[%dma_start3A, %dma_start3A_24] : memref<50x80xi32, #tpu.memory_space<vmem>> -> memref<1x80xi32, #tpu.memory_space<vmem>>
      %dma_start3A_26 = tpu.memref_squeeze %dma_start3A_25 : memref<1x80xi32, #tpu.memory_space<vmem>> -> memref<80xi32, #tpu.memory_space<vmem>>
      %dma_start3A_27 = arith.constant 0 : i32
      %dma_start3A_28 = arith.constant 0 : i32
      %dma_start3A_29 = tpu.memref_slice %arg2[%dma_start3A_27, %dma_start3A_28] : memref<20000x128xf32, #tpu.memory_space<hbm>> -> memref<20000x128xf32, #tpu.memory_space<hbm>>
      tpu.enqueue_indirect_dma source(%dma_start3A_29 : memref<20000x128xf32, #tpu.memory_space<hbm>>) target(%arg10 : memref<80x128xf32, #tpu.memory_space<vmem>>) offsets(%dma_start3A_26 : memref<80xi32, #tpu.memory_space<vmem>>) semaphore(%arg12 : memref<!tpu.dma_semaphore, #tpu.memory_space<semaphore_mem>>)
      %scan3A_30 = arith.constant 0 : i32
      %scan3A_31 = arith.constant 0 : i32
      %scan3A_32 = arith.constant 25 : i32
      %scan3A_33 = arith.addi %scan3A_31, %scan3A_32 : i32
      %scan3A_34 = arith.constant 1 : i32
      %scan3A_35 = scf.for %scan3A_44 = %scan3A_31 to %scan3A_33 step %scan3A_34 iter_args(%scan3A_45 = %scan3A_30) -> (i32)  : i32 {
        %mul3A_46 = arith.constant 2 : i32
        %mul3A_47 = arith.muli %mul3A_46, %scan3A_44 : i32
        %add3A_48 = arith.constant 1 : i32
        %add3A_49 = arith.addi %mul3A_47, %add3A_48 : i32
        %dma_wait3A_50 = arith.constant 0 : i32
        %dma_wait3A_51 = tpu.memref_slice %arg8[%mul3A_47, %dma_wait3A_50] : memref<50x80xi32, #tpu.memory_space<vmem>> -> memref<1x80xi32, #tpu.memory_space<vmem>>
        %dma_wait3A_52 = tpu.memref_squeeze %dma_wait3A_51 : memref<1x80xi32, #tpu.memory_space<vmem>> -> memref<80xi32, #tpu.memory_space<vmem>>
        %dma_wait3A_53 = arith.constant 0 : i32
        %dma_wait3A_54 = arith.constant 0 : i32
        %dma_wait3A_55 = tpu.memref_slice %arg2[%dma_wait3A_53, %dma_wait3A_54] : memref<20000x128xf32, #tpu.memory_space<hbm>> -> memref<20000x128xf32, #tpu.memory_space<hbm>>
        tpu.wait_indirect_dma semaphore(%arg12 : memref<!tpu.dma_semaphore, #tpu.memory_space<semaphore_mem>>) src(%dma_wait3A_55 : memref<20000x128xf32, #tpu.memory_space<hbm>>) dst(%arg10 : memref<80x128xf32, #tpu.memory_space<vmem>>)
        %dma_start3A_56 = arith.constant 0 : i32
        %dma_start3A_57 = tpu.memref_slice %arg9[%mul3A_47, %dma_start3A_56] : memref<50x80xi32, #tpu.memory_space<vmem>> -> memref<1x80xi32, #tpu.memory_space<vmem>>
        %dma_start3A_58 = tpu.memref_squeeze %dma_start3A_57 : memref<1x80xi32, #tpu.memory_space<vmem>> -> memref<80xi32, #tpu.memory_space<vmem>>
        %dma_start3A_59 = arith.constant 0 : i32
        %dma_start3A_60 = arith.constant 0 : i32
        %dma_start3A_61 = tpu.memref_slice %arg7[%dma_start3A_59, %dma_start3A_60] : memref<10008x128xf32, #tpu.memory_space<vmem_shared>> -> memref<10008x128xf32, #tpu.memory_space<vmem_shared>>
        tpu.enqueue_indirect_dma source(%arg10 : memref<80x128xf32, #tpu.memory_space<vmem>>) target(%dma_start3A_61 : memref<10008x128xf32, #tpu.memory_space<vmem_shared>>) offsets(%dma_start3A_58 : memref<80xi32, #tpu.memory_space<vmem>>) semaphore(%arg14 : memref<!tpu.dma_semaphore, #tpu.memory_space<semaphore_mem>>) {add = true}
        %gt3A = arith.constant 0 : i32
        %gt3A_62 = arith.cmpi sgt, %scan3A_44, %gt3A : i32
        %convert_element_type3A_63 = arith.extui %gt3A_62 : i1 to i32
        %cond3A_64 = arith.constant 0 : i32
        %cond3A_65 = arith.cmpi ne, %convert_element_type3A_63, %cond3A_64 : i32
        scf.if %cond3A_65 {
          %sub3A = arith.constant 2 : i32
          %sub3A_97 = arith.subi %add3A_49, %sub3A : i32
          %dma_wait3A_98 = arith.constant 0 : i32
          %dma_wait3A_99 = tpu.memref_slice %arg9[%sub3A_97, %dma_wait3A_98] : memref<50x80xi32, #tpu.memory_space<vmem>> -> memref<1x80xi32, #tpu.memory_space<vmem>>
          %dma_wait3A_100 = tpu.memref_squeeze %dma_wait3A_99 : memref<1x80xi32, #tpu.memory_space<vmem>> -> memref<80xi32, #tpu.memory_space<vmem>>
          %dma_wait3A_101 = arith.constant 0 : i32
          %dma_wait3A_102 = arith.constant 0 : i32
          %dma_wait3A_103 = tpu.memref_slice %arg7[%dma_wait3A_101, %dma_wait3A_102] : memref<10008x128xf32, #tpu.memory_space<vmem_shared>> -> memref<10008x128xf32, #tpu.memory_space<vmem_shared>>
          tpu.wait_indirect_dma semaphore(%arg15 : memref<!tpu.dma_semaphore, #tpu.memory_space<semaphore_mem>>) src(%arg11 : memref<80x128xf32, #tpu.memory_space<vmem>>) dst(%dma_wait3A_103 : memref<10008x128xf32, #tpu.memory_space<vmem_shared>>)
        } else {
        }
        %dma_start3A_66 = arith.constant 0 : i32
        %dma_start3A_67 = tpu.memref_slice %arg8[%add3A_49, %dma_start3A_66] : memref<50x80xi32, #tpu.memory_space<vmem>> -> memref<1x80xi32, #tpu.memory_space<vmem>>
        %dma_start3A_68 = tpu.memref_squeeze %dma_start3A_67 : memref<1x80xi32, #tpu.memory_space<vmem>> -> memref<80xi32, #tpu.memory_space<vmem>>
        %dma_start3A_69 = arith.constant 0 : i32
        %dma_start3A_70 = arith.constant 0 : i32
        %dma_start3A_71 = tpu.memref_slice %arg2[%dma_start3A_69, %dma_start3A_70] : memref<20000x128xf32, #tpu.memory_space<hbm>> -> memref<20000x128xf32, #tpu.memory_space<hbm>>
        tpu.enqueue_indirect_dma source(%dma_start3A_71 : memref<20000x128xf32, #tpu.memory_space<hbm>>) target(%arg11 : memref<80x128xf32, #tpu.memory_space<vmem>>) offsets(%dma_start3A_68 : memref<80xi32, #tpu.memory_space<vmem>>) semaphore(%arg13 : memref<!tpu.dma_semaphore, #tpu.memory_space<semaphore_mem>>)
        %dma_wait3A_72 = arith.constant 0 : i32
        %dma_wait3A_73 = tpu.memref_slice %arg8[%add3A_49, %dma_wait3A_72] : memref<50x80xi32, #tpu.memory_space<vmem>> -> memref<1x80xi32, #tpu.memory_space<vmem>>
        %dma_wait3A_74 = tpu.memref_squeeze %dma_wait3A_73 : memref<1x80xi32, #tpu.memory_space<vmem>> -> memref<80xi32, #tpu.memory_space<vmem>>
        %dma_wait3A_75 = arith.constant 0 : i32
        %dma_wait3A_76 = arith.constant 0 : i32
        %dma_wait3A_77 = tpu.memref_slice %arg2[%dma_wait3A_75, %dma_wait3A_76] : memref<20000x128xf32, #tpu.memory_space<hbm>> -> memref<20000x128xf32, #tpu.memory_space<hbm>>
        tpu.wait_indirect_dma semaphore(%arg13 : memref<!tpu.dma_semaphore, #tpu.memory_space<semaphore_mem>>) src(%dma_wait3A_77 : memref<20000x128xf32, #tpu.memory_space<hbm>>) dst(%arg11 : memref<80x128xf32, #tpu.memory_space<vmem>>)
        %dma_start3A_78 = arith.constant 0 : i32
        %dma_start3A_79 = tpu.memref_slice %arg9[%add3A_49, %dma_start3A_78] : memref<50x80xi32, #tpu.memory_space<vmem>> -> memref<1x80xi32, #tpu.memory_space<vmem>>
        %dma_start3A_80 = tpu.memref_squeeze %dma_start3A_79 : memref<1x80xi32, #tpu.memory_space<vmem>> -> memref<80xi32, #tpu.memory_space<vmem>>
        %dma_start3A_81 = arith.constant 0 : i32
        %dma_start3A_82 = arith.constant 0 : i32
        %dma_start3A_83 = tpu.memref_slice %arg7[%dma_start3A_81, %dma_start3A_82] : memref<10008x128xf32, #tpu.memory_space<vmem_shared>> -> memref<10008x128xf32, #tpu.memory_space<vmem_shared>>
        tpu.enqueue_indirect_dma source(%arg11 : memref<80x128xf32, #tpu.memory_space<vmem>>) target(%dma_start3A_83 : memref<10008x128xf32, #tpu.memory_space<vmem_shared>>) offsets(%dma_start3A_80 : memref<80xi32, #tpu.memory_space<vmem>>) semaphore(%arg15 : memref<!tpu.dma_semaphore, #tpu.memory_space<semaphore_mem>>) {add = true}
        %dma_wait3A_84 = arith.constant 0 : i32
        %dma_wait3A_85 = tpu.memref_slice %arg9[%mul3A_47, %dma_wait3A_84] : memref<50x80xi32, #tpu.memory_space<vmem>> -> memref<1x80xi32, #tpu.memory_space<vmem>>
        %dma_wait3A_86 = tpu.memref_squeeze %dma_wait3A_85 : memref<1x80xi32, #tpu.memory_space<vmem>> -> memref<80xi32, #tpu.memory_space<vmem>>
        %dma_wait3A_87 = arith.constant 0 : i32
        %dma_wait3A_88 = arith.constant 0 : i32
        %dma_wait3A_89 = tpu.memref_slice %arg7[%dma_wait3A_87, %dma_wait3A_88] : memref<10008x128xf32, #tpu.memory_space<vmem_shared>> -> memref<10008x128xf32, #tpu.memory_space<vmem_shared>>
        tpu.wait_indirect_dma semaphore(%arg14 : memref<!tpu.dma_semaphore, #tpu.memory_space<semaphore_mem>>) src(%arg10 : memref<80x128xf32, #tpu.memory_space<vmem>>) dst(%dma_wait3A_89 : memref<10008x128xf32, #tpu.memory_space<vmem_shared>>)
        %add3A_90 = arith.constant 1 : i32
        %add3A_91 = arith.addi %scan3A_44, %add3A_90 : i32
        %lt3A = arith.constant 25 : i32
        %lt3A_92 = arith.cmpi slt, %add3A_91, %lt3A : i32
        %convert_element_type3A_93 = arith.extui %lt3A_92 : i1 to i32
        %cond3A_94 = arith.constant 0 : i32
        %cond3A_95 = arith.cmpi ne, %convert_element_type3A_93, %cond3A_94 : i32
        scf.if %cond3A_95 {
          %add3A_97 = arith.constant 2 : i32
          %add3A_98 = arith.addi %mul3A_47, %add3A_97 : i32
          %dma_start3A_99 = arith.constant 0 : i32
          %dma_start3A_100 = tpu.memref_slice %arg8[%add3A_98, %dma_start3A_99] : memref<50x80xi32, #tpu.memory_space<vmem>> -> memref<1x80xi32, #tpu.memory_space<vmem>>
          %dma_start3A_101 = tpu.memref_squeeze %dma_start3A_100 : memref<1x80xi32, #tpu.memory_space<vmem>> -> memref<80xi32, #tpu.memory_space<vmem>>
          %dma_start3A_102 = arith.constant 0 : i32
          %dma_start3A_103 = arith.constant 0 : i32
          %dma_start3A_104 = tpu.memref_slice %arg2[%dma_start3A_102, %dma_start3A_103] : memref<20000x128xf32, #tpu.memory_space<hbm>> -> memref<20000x128xf32, #tpu.memory_space<hbm>>
          tpu.enqueue_indirect_dma source(%dma_start3A_104 : memref<20000x128xf32, #tpu.memory_space<hbm>>) target(%arg10 : memref<80x128xf32, #tpu.memory_space<vmem>>) offsets(%dma_start3A_101 : memref<80xi32, #tpu.memory_space<vmem>>) semaphore(%arg12 : memref<!tpu.dma_semaphore, #tpu.memory_space<semaphore_mem>>)
        } else {
        }
        %scan3A_96 = arith.constant 0 : i32
        scf.yield %scan3A_96 : i32
      }
      %scan3A_36 = arith.constant 25 : i32
      %dma_wait3A = arith.constant 49 : i32
      %dma_wait3A_37 = arith.constant 0 : i32
      %dma_wait3A_38 = tpu.memref_slice %arg9[%dma_wait3A, %dma_wait3A_37] : memref<50x80xi32, #tpu.memory_space<vmem>> -> memref<1x80xi32, #tpu.memory_space<vmem>>
      %dma_wait3A_39 = tpu.memref_squeeze %dma_wait3A_38 : memref<1x80xi32, #tpu.memory_space<vmem>> -> memref<80xi32, #tpu.memory_space<vmem>>
      %dma_wait3A_40 = arith.constant 0 : i32
      %dma_wait3A_41 = arith.constant 0 : i32
      %dma_wait3A_42 = tpu.memref_slice %arg7[%dma_wait3A_40, %dma_wait3A_41] : memref<10008x128xf32, #tpu.memory_space<vmem_shared>> -> memref<10008x128xf32, #tpu.memory_space<vmem_shared>>
      tpu.wait_indirect_dma semaphore(%arg15 : memref<!tpu.dma_semaphore, #tpu.memory_space<semaphore_mem>>) src(%arg11 : memref<80x128xf32, #tpu.memory_space<vmem>>) dst(%dma_wait3A_42 : memref<10008x128xf32, #tpu.memory_space<vmem_shared>>)
      %scan3A_43 = arith.constant 0 : i32
      scf.yield %scan3A_43 : i32
    }
    %scan3A_10 = arith.constant 5 : i32
    %barrier3A_11 = arith.constant 0 : index
    tpu.barrier barrier_id(%barrier3A_11)
    %mul3A_12 = arith.constant 625 : i32
    %mul3A_13 = arith.muli %arg1, %mul3A_12 : i32
    %mul3A_14 = arith.constant 10000 : i32
    %mul3A_15 = arith.muli %arg0, %mul3A_14 : i32
    %mul3A_16 = arith.constant 625 : i32
    %mul3A_17 = arith.muli %arg1, %mul3A_16 : i32
    %add3A = arith.addi %mul3A_15, %mul3A_17 : i32
    "tpu.region"() ({
      %run_scoped3A = tpu.sem_alloc : memref<!tpu.dma_semaphore, #tpu.memory_space<semaphore_mem>>
      %dma_start3A = arith.constant 0 : i32
      %dma_start3A_18 = tpu.memref_slice %arg6[%add3A, %dma_start3A] : memref<20000x128xf32, #tpu.memory_space<hbm>> -> memref<625x128xf32, #tpu.memory_space<hbm>>
      %dma_start3A_19 = arith.constant 0 : i32
      %dma_start3A_20 = tpu.memref_slice %arg7[%mul3A_13, %dma_start3A_19] : memref<10008x128xf32, #tpu.memory_space<vmem_shared>> -> memref<625x128xf32, #tpu.memory_space<vmem_shared>>
      tpu.enqueue_dma source(%dma_start3A_20 : memref<625x128xf32, #tpu.memory_space<vmem_shared>>) target(%dma_start3A_18 : memref<625x128xf32, #tpu.memory_space<hbm>>) target_semaphore(%run_scoped3A : memref<!tpu.dma_semaphore, #tpu.memory_space<semaphore_mem>>)
      %dma_wait3A = arith.constant 0 : i32
      %dma_wait3A_21 = tpu.memref_slice %arg6[%add3A, %dma_wait3A] : memref<20000x128xf32, #tpu.memory_space<hbm>> -> memref<625x128xf32, #tpu.memory_space<hbm>>
      %dma_wait3A_22 = arith.constant 0 : i32
      %dma_wait3A_23 = tpu.memref_slice %arg7[%mul3A_13, %dma_wait3A_22] : memref<10008x128xf32, #tpu.memory_space<vmem_shared>> -> memref<625x128xf32, #tpu.memory_space<vmem_shared>>
      tpu.wait_dma2 semaphore(%run_scoped3A : memref<!tpu.dma_semaphore, #tpu.memory_space<semaphore_mem>>) src(%dma_wait3A_23 : memref<625x128xf32, #tpu.memory_space<vmem_shared>>) dst(%dma_wait3A_21 : memref<625x128xf32, #tpu.memory_space<hbm>>)
      tpu.yield
    }) : () -> ()
    return
  }
}

#map = affine_map<(d0, d1) -> (0, 0)>
#map1 = affine_map<(d0, d1) -> (0, 0, 0, 0)>
module attributes {stable_mosaic.version = 14 : i64} {
  func.func @_msg_body(%arg0: i32, %arg1: i32, %arg2: memref<20000x128xf32, #tpu.memory_space<hbm>>, %arg3: memref<2x16x250x80xi32, #tpu.memory_space<hbm>>, %arg4: memref<2x16x250x80xi32, #tpu.memory_space<hbm>>, %arg5: memref<10000x128xf32, #tpu.memory_space<hbm>>, %arg6: memref<20000x128xf32, #tpu.memory_space<hbm>>, %arg7: memref<10008x128xf32, #tpu.memory_space<vmem_shared>>, %arg8: memref<50x80xi32, #tpu.memory_space<vmem>>, %arg9: memref<50x80xi32, #tpu.memory_space<vmem>>, %arg10: memref<80x128xf32, #tpu.memory_space<vmem>>, %arg11: memref<80x128xf32, #tpu.memory_space<vmem>>, %arg12: memref<!tpu.dma_semaphore, #tpu.memory_space<semaphore_mem>>, %arg13: memref<!tpu.dma_semaphore, #tpu.memory_space<semaphore_mem>>, %arg14: memref<!tpu.dma_semaphore, #tpu.memory_space<semaphore_mem>>, %arg15: memref<!tpu.dma_semaphore, #tpu.memory_space<semaphore_mem>>) attributes {dimension_semantics = [#tpu.dimension_semantics<core_parallel>, #tpu.dimension_semantics<subcore_parallel>], iteration_bounds = array<i64: 2, 16>, scalar_prefetch = 0 : i64, scratch_operands = 9 : i64, tpu.core_type = #tpu.core_type<sc_vector_subcore>, window_params = [{transform_indices = #map}, {transform_indices = #map1}, {transform_indices = #map1}, {transform_indices = #map}, {transform_indices = #map}]} {
    %mul3A = arith.constant 625 : i32
    %mul3A_0 = arith.muli %arg1, %mul3A : i32
    %mul3A_1 = arith.constant 625 : i32
    %mul3A_2 = arith.muli %arg1, %mul3A_1 : i32
    "tpu.region"() ({
      %run_scoped3A = tpu.sem_alloc : memref<!tpu.dma_semaphore, #tpu.memory_space<semaphore_mem>>
      %dma_start3A = arith.constant 0 : i32
      %dma_start3A_18 = tpu.memref_slice %arg7[%mul3A_2, %dma_start3A] : memref<10008x128xf32, #tpu.memory_space<vmem_shared>> -> memref<625x128xf32, #tpu.memory_space<vmem_shared>>
      %dma_start3A_19 = arith.constant 0 : i32
      %dma_start3A_20 = tpu.memref_slice %arg5[%mul3A_0, %dma_start3A_19] : memref<10000x128xf32, #tpu.memory_space<hbm>> -> memref<625x128xf32, #tpu.memory_space<hbm>>
      tpu.enqueue_dma source(%dma_start3A_20 : memref<625x128xf32, #tpu.memory_space<hbm>>) target(%dma_start3A_18 : memref<625x128xf32, #tpu.memory_space<vmem_shared>>) target_semaphore(%run_scoped3A : memref<!tpu.dma_semaphore, #tpu.memory_space<semaphore_mem>>)
      %dma_wait3A = arith.constant 0 : i32
      %dma_wait3A_21 = tpu.memref_slice %arg7[%mul3A_2, %dma_wait3A] : memref<10008x128xf32, #tpu.memory_space<vmem_shared>> -> memref<625x128xf32, #tpu.memory_space<vmem_shared>>
      %dma_wait3A_22 = arith.constant 0 : i32
      %dma_wait3A_23 = tpu.memref_slice %arg5[%mul3A_0, %dma_wait3A_22] : memref<10000x128xf32, #tpu.memory_space<hbm>> -> memref<625x128xf32, #tpu.memory_space<hbm>>
      tpu.wait_dma2 semaphore(%run_scoped3A : memref<!tpu.dma_semaphore, #tpu.memory_space<semaphore_mem>>) src(%dma_wait3A_23 : memref<625x128xf32, #tpu.memory_space<hbm>>) dst(%dma_wait3A_21 : memref<625x128xf32, #tpu.memory_space<vmem_shared>>)
      tpu.yield
    }) : () -> ()
    %eq3A = arith.constant 0 : i32
    %eq3A_3 = arith.cmpi eq, %arg1, %eq3A : i32
    %convert_element_type3A = arith.extui %eq3A_3 : i1 to i32
    %cond3A = arith.constant 0 : i32
    %cond3A_4 = arith.cmpi ne, %convert_element_type3A, %cond3A : i32
    scf.if %cond3A_4 {
      "tpu.region"() ({
        %run_scoped3A = tpu.sem_alloc : memref<!tpu.dma_semaphore, #tpu.memory_space<semaphore_mem>>
        %dma_start3A = arith.constant 10000 : i32
        %dma_start3A_18 = arith.constant 0 : i32
        %dma_start3A_19 = tpu.memref_slice %arg7[%dma_start3A, %dma_start3A_18] : memref<10008x128xf32, #tpu.memory_space<vmem_shared>> -> memref<8x128xf32, #tpu.memory_space<vmem_shared>>
        %dma_start3A_20 = arith.constant 0 : i32
        %dma_start3A_21 = arith.constant 0 : i32
        %dma_start3A_22 = tpu.memref_slice %arg5[%dma_start3A_20, %dma_start3A_21] : memref<10000x128xf32, #tpu.memory_space<hbm>> -> memref<8x128xf32, #tpu.memory_space<hbm>>
        tpu.enqueue_dma source(%dma_start3A_22 : memref<8x128xf32, #tpu.memory_space<hbm>>) target(%dma_start3A_19 : memref<8x128xf32, #tpu.memory_space<vmem_shared>>) target_semaphore(%run_scoped3A : memref<!tpu.dma_semaphore, #tpu.memory_space<semaphore_mem>>)
        %dma_wait3A = arith.constant 10000 : i32
        %dma_wait3A_23 = arith.constant 0 : i32
        %dma_wait3A_24 = tpu.memref_slice %arg7[%dma_wait3A, %dma_wait3A_23] : memref<10008x128xf32, #tpu.memory_space<vmem_shared>> -> memref<8x128xf32, #tpu.memory_space<vmem_shared>>
        %dma_wait3A_25 = arith.constant 0 : i32
        %dma_wait3A_26 = arith.constant 0 : i32
        %dma_wait3A_27 = tpu.memref_slice %arg5[%dma_wait3A_25, %dma_wait3A_26] : memref<10000x128xf32, #tpu.memory_space<hbm>> -> memref<8x128xf32, #tpu.memory_space<hbm>>
        tpu.wait_dma2 semaphore(%run_scoped3A : memref<!tpu.dma_semaphore, #tpu.memory_space<semaphore_mem>>) src(%dma_wait3A_27 : memref<8x128xf32, #tpu.memory_space<hbm>>) dst(%dma_wait3A_24 : memref<8x128xf32, #tpu.memory_space<vmem_shared>>)
        tpu.yield
      }) : () -> ()
    } else {
    }
    %barrier3A = arith.constant 0 : index
    tpu.barrier barrier_id(%barrier3A)
    %scan3A = arith.constant 0 : i32
    %scan3A_5 = arith.constant 0 : i32
    %scan3A_6 = arith.constant 5 : i32
    %scan3A_7 = arith.addi %scan3A_5, %scan3A_6 : i32
    %scan3A_8 = arith.constant 1 : i32
    %scan3A_9 = scf.for %scan3A_18 = %scan3A_5 to %scan3A_7 step %scan3A_8 iter_args(%scan3A_19 = %scan3A) -> (i32)  : i32 {
      %mul3A_20 = arith.constant 50 : i32
      %mul3A_21 = arith.muli %scan3A_18, %mul3A_20 : i32
      "tpu.region"() ({
        %run_scoped3A = tpu.sem_alloc : memref<!tpu.dma_semaphore, #tpu.memory_space<semaphore_mem>>
        %dma_start3A_44 = arith.constant 0 : i32
        %dma_start3A_45 = tpu.memref_slice %arg3[%arg0, %arg1, %mul3A_21, %dma_start3A_44] : memref<2x16x250x80xi32, #tpu.memory_space<hbm>> -> memref<1x1x50x80xi32, #tpu.memory_space<hbm>>
        %dma_start3A_46 = tpu.memref_squeeze %dma_start3A_45 : memref<1x1x50x80xi32, #tpu.memory_space<hbm>> -> memref<50x80xi32, #tpu.memory_space<hbm>>
        %dma_start3A_47 = arith.constant 0 : i32
        %dma_start3A_48 = tpu.memref_slice %arg3[%arg0, %arg1, %mul3A_21, %dma_start3A_47] : memref<2x16x250x80xi32, #tpu.memory_space<hbm>> -> memref<1x1x50x80xi32, #tpu.memory_space<hbm>>
        %dma_start3A_49 = tpu.memref_squeeze %dma_start3A_48 : memref<1x1x50x80xi32, #tpu.memory_space<hbm>> -> memref<50x80xi32, #tpu.memory_space<hbm>>
        tpu.enqueue_dma source(%dma_start3A_49 : memref<50x80xi32, #tpu.memory_space<hbm>>) target(%arg8 : memref<50x80xi32, #tpu.memory_space<vmem>>) target_semaphore(%run_scoped3A : memref<!tpu.dma_semaphore, #tpu.memory_space<semaphore_mem>>)
        %dma_wait3A_50 = arith.constant 0 : i32
        %dma_wait3A_51 = tpu.memref_slice %arg3[%arg0, %arg1, %mul3A_21, %dma_wait3A_50] : memref<2x16x250x80xi32, #tpu.memory_space<hbm>> -> memref<1x1x50x80xi32, #tpu.memory_space<hbm>>
        %dma_wait3A_52 = tpu.memref_squeeze %dma_wait3A_51 : memref<1x1x50x80xi32, #tpu.memory_space<hbm>> -> memref<50x80xi32, #tpu.memory_space<hbm>>
        %dma_wait3A_53 = arith.constant 0 : i32
        %dma_wait3A_54 = tpu.memref_slice %arg3[%arg0, %arg1, %mul3A_21, %dma_wait3A_53] : memref<2x16x250x80xi32, #tpu.memory_space<hbm>> -> memref<1x1x50x80xi32, #tpu.memory_space<hbm>>
        %dma_wait3A_55 = tpu.memref_squeeze %dma_wait3A_54 : memref<1x1x50x80xi32, #tpu.memory_space<hbm>> -> memref<50x80xi32, #tpu.memory_space<hbm>>
        tpu.wait_dma2 semaphore(%run_scoped3A : memref<!tpu.dma_semaphore, #tpu.memory_space<semaphore_mem>>) src(%dma_wait3A_55 : memref<50x80xi32, #tpu.memory_space<hbm>>) dst(%arg8 : memref<50x80xi32, #tpu.memory_space<vmem>>)
        tpu.yield
      }) : () -> ()
      %mul3A_22 = arith.constant 50 : i32
      %mul3A_23 = arith.muli %scan3A_18, %mul3A_22 : i32
      "tpu.region"() ({
        %run_scoped3A = tpu.sem_alloc : memref<!tpu.dma_semaphore, #tpu.memory_space<semaphore_mem>>
        %dma_start3A_44 = arith.constant 0 : i32
        %dma_start3A_45 = tpu.memref_slice %arg4[%arg0, %arg1, %mul3A_23, %dma_start3A_44] : memref<2x16x250x80xi32, #tpu.memory_space<hbm>> -> memref<1x1x50x80xi32, #tpu.memory_space<hbm>>
        %dma_start3A_46 = tpu.memref_squeeze %dma_start3A_45 : memref<1x1x50x80xi32, #tpu.memory_space<hbm>> -> memref<50x80xi32, #tpu.memory_space<hbm>>
        %dma_start3A_47 = arith.constant 0 : i32
        %dma_start3A_48 = tpu.memref_slice %arg4[%arg0, %arg1, %mul3A_23, %dma_start3A_47] : memref<2x16x250x80xi32, #tpu.memory_space<hbm>> -> memref<1x1x50x80xi32, #tpu.memory_space<hbm>>
        %dma_start3A_49 = tpu.memref_squeeze %dma_start3A_48 : memref<1x1x50x80xi32, #tpu.memory_space<hbm>> -> memref<50x80xi32, #tpu.memory_space<hbm>>
        tpu.enqueue_dma source(%dma_start3A_49 : memref<50x80xi32, #tpu.memory_space<hbm>>) target(%arg9 : memref<50x80xi32, #tpu.memory_space<vmem>>) target_semaphore(%run_scoped3A : memref<!tpu.dma_semaphore, #tpu.memory_space<semaphore_mem>>)
        %dma_wait3A_50 = arith.constant 0 : i32
        %dma_wait3A_51 = tpu.memref_slice %arg4[%arg0, %arg1, %mul3A_23, %dma_wait3A_50] : memref<2x16x250x80xi32, #tpu.memory_space<hbm>> -> memref<1x1x50x80xi32, #tpu.memory_space<hbm>>
        %dma_wait3A_52 = tpu.memref_squeeze %dma_wait3A_51 : memref<1x1x50x80xi32, #tpu.memory_space<hbm>> -> memref<50x80xi32, #tpu.memory_space<hbm>>
        %dma_wait3A_53 = arith.constant 0 : i32
        %dma_wait3A_54 = tpu.memref_slice %arg4[%arg0, %arg1, %mul3A_23, %dma_wait3A_53] : memref<2x16x250x80xi32, #tpu.memory_space<hbm>> -> memref<1x1x50x80xi32, #tpu.memory_space<hbm>>
        %dma_wait3A_55 = tpu.memref_squeeze %dma_wait3A_54 : memref<1x1x50x80xi32, #tpu.memory_space<hbm>> -> memref<50x80xi32, #tpu.memory_space<hbm>>
        tpu.wait_dma2 semaphore(%run_scoped3A : memref<!tpu.dma_semaphore, #tpu.memory_space<semaphore_mem>>) src(%dma_wait3A_55 : memref<50x80xi32, #tpu.memory_space<hbm>>) dst(%arg9 : memref<50x80xi32, #tpu.memory_space<vmem>>)
        tpu.yield
      }) : () -> ()
      %dma_start3A = arith.constant 0 : i32
      %dma_start3A_24 = arith.constant 0 : i32
      %dma_start3A_25 = tpu.memref_slice %arg8[%dma_start3A, %dma_start3A_24] : memref<50x80xi32, #tpu.memory_space<vmem>> -> memref<1x80xi32, #tpu.memory_space<vmem>>
      %dma_start3A_26 = tpu.memref_squeeze %dma_start3A_25 : memref<1x80xi32, #tpu.memory_space<vmem>> -> memref<80xi32, #tpu.memory_space<vmem>>
      %dma_start3A_27 = arith.constant 0 : i32
      %dma_start3A_28 = arith.constant 0 : i32
      %dma_start3A_29 = tpu.memref_slice %arg2[%dma_start3A_27, %dma_start3A_28] : memref<20000x128xf32, #tpu.memory_space<hbm>> -> memref<20000x128xf32, #tpu.memory_space<hbm>>
      tpu.enqueue_indirect_dma source(%dma_start3A_29 : memref<20000x128xf32, #tpu.memory_space<hbm>>) target(%arg10 : memref<80x128xf32, #tpu.memory_space<vmem>>) offsets(%dma_start3A_26 : memref<80xi32, #tpu.memory_space<vmem>>) semaphore(%arg12 : memref<!tpu.dma_semaphore, #tpu.memory_space<semaphore_mem>>)
      %scan3A_30 = arith.constant 0 : i32
      %scan3A_31 = arith.constant 0 : i32
      %scan3A_32 = arith.constant 25 : i32
      %scan3A_33 = arith.addi %scan3A_31, %scan3A_32 : i32
      %scan3A_34 = arith.constant 1 : i32
      %scan3A_35 = scf.for %scan3A_44 = %scan3A_31 to %scan3A_33 step %scan3A_34 iter_args(%scan3A_45 = %scan3A_30) -> (i32)  : i32 {
        %mul3A_46 = arith.constant 2 : i32
        %mul3A_47 = arith.muli %mul3A_46, %scan3A_44 : i32
        %add3A_48 = arith.constant 1 : i32
        %add3A_49 = arith.addi %mul3A_47, %add3A_48 : i32
        %dma_wait3A_50 = arith.constant 0 : i32
        %dma_wait3A_51 = tpu.memref_slice %arg8[%mul3A_47, %dma_wait3A_50] : memref<50x80xi32, #tpu.memory_space<vmem>> -> memref<1x80xi32, #tpu.memory_space<vmem>>
        %dma_wait3A_52 = tpu.memref_squeeze %dma_wait3A_51 : memref<1x80xi32, #tpu.memory_space<vmem>> -> memref<80xi32, #tpu.memory_space<vmem>>
        %dma_wait3A_53 = arith.constant 0 : i32
        %dma_wait3A_54 = arith.constant 0 : i32
        %dma_wait3A_55 = tpu.memref_slice %arg2[%dma_wait3A_53, %dma_wait3A_54] : memref<20000x128xf32, #tpu.memory_space<hbm>> -> memref<20000x128xf32, #tpu.memory_space<hbm>>
        tpu.wait_indirect_dma semaphore(%arg12 : memref<!tpu.dma_semaphore, #tpu.memory_space<semaphore_mem>>) src(%dma_wait3A_55 : memref<20000x128xf32, #tpu.memory_space<hbm>>) dst(%arg10 : memref<80x128xf32, #tpu.memory_space<vmem>>)
        %dma_start3A_56 = arith.constant 0 : i32
        %dma_start3A_57 = tpu.memref_slice %arg9[%mul3A_47, %dma_start3A_56] : memref<50x80xi32, #tpu.memory_space<vmem>> -> memref<1x80xi32, #tpu.memory_space<vmem>>
        %dma_start3A_58 = tpu.memref_squeeze %dma_start3A_57 : memref<1x80xi32, #tpu.memory_space<vmem>> -> memref<80xi32, #tpu.memory_space<vmem>>
        %dma_start3A_59 = arith.constant 0 : i32
        %dma_start3A_60 = arith.constant 0 : i32
        %dma_start3A_61 = tpu.memref_slice %arg7[%dma_start3A_59, %dma_start3A_60] : memref<10008x128xf32, #tpu.memory_space<vmem_shared>> -> memref<10008x128xf32, #tpu.memory_space<vmem_shared>>
        tpu.enqueue_indirect_dma source(%arg10 : memref<80x128xf32, #tpu.memory_space<vmem>>) target(%dma_start3A_61 : memref<10008x128xf32, #tpu.memory_space<vmem_shared>>) offsets(%dma_start3A_58 : memref<80xi32, #tpu.memory_space<vmem>>) semaphore(%arg14 : memref<!tpu.dma_semaphore, #tpu.memory_space<semaphore_mem>>) {add = true}
        %gt3A = arith.constant 0 : i32
        %gt3A_62 = arith.cmpi sgt, %scan3A_44, %gt3A : i32
        %convert_element_type3A_63 = arith.extui %gt3A_62 : i1 to i32
        %cond3A_64 = arith.constant 0 : i32
        %cond3A_65 = arith.cmpi ne, %convert_element_type3A_63, %cond3A_64 : i32
        scf.if %cond3A_65 {
          %sub3A = arith.constant 2 : i32
          %sub3A_97 = arith.subi %add3A_49, %sub3A : i32
          %dma_wait3A_98 = arith.constant 0 : i32
          %dma_wait3A_99 = tpu.memref_slice %arg9[%sub3A_97, %dma_wait3A_98] : memref<50x80xi32, #tpu.memory_space<vmem>> -> memref<1x80xi32, #tpu.memory_space<vmem>>
          %dma_wait3A_100 = tpu.memref_squeeze %dma_wait3A_99 : memref<1x80xi32, #tpu.memory_space<vmem>> -> memref<80xi32, #tpu.memory_space<vmem>>
          %dma_wait3A_101 = arith.constant 0 : i32
          %dma_wait3A_102 = arith.constant 0 : i32
          %dma_wait3A_103 = tpu.memref_slice %arg7[%dma_wait3A_101, %dma_wait3A_102] : memref<10008x128xf32, #tpu.memory_space<vmem_shared>> -> memref<10008x128xf32, #tpu.memory_space<vmem_shared>>
          tpu.wait_indirect_dma semaphore(%arg15 : memref<!tpu.dma_semaphore, #tpu.memory_space<semaphore_mem>>) src(%arg11 : memref<80x128xf32, #tpu.memory_space<vmem>>) dst(%dma_wait3A_103 : memref<10008x128xf32, #tpu.memory_space<vmem_shared>>)
        } else {
        }
        %dma_start3A_66 = arith.constant 0 : i32
        %dma_start3A_67 = tpu.memref_slice %arg8[%add3A_49, %dma_start3A_66] : memref<50x80xi32, #tpu.memory_space<vmem>> -> memref<1x80xi32, #tpu.memory_space<vmem>>
        %dma_start3A_68 = tpu.memref_squeeze %dma_start3A_67 : memref<1x80xi32, #tpu.memory_space<vmem>> -> memref<80xi32, #tpu.memory_space<vmem>>
        %dma_start3A_69 = arith.constant 0 : i32
        %dma_start3A_70 = arith.constant 0 : i32
        %dma_start3A_71 = tpu.memref_slice %arg2[%dma_start3A_69, %dma_start3A_70] : memref<20000x128xf32, #tpu.memory_space<hbm>> -> memref<20000x128xf32, #tpu.memory_space<hbm>>
        tpu.enqueue_indirect_dma source(%dma_start3A_71 : memref<20000x128xf32, #tpu.memory_space<hbm>>) target(%arg11 : memref<80x128xf32, #tpu.memory_space<vmem>>) offsets(%dma_start3A_68 : memref<80xi32, #tpu.memory_space<vmem>>) semaphore(%arg13 : memref<!tpu.dma_semaphore, #tpu.memory_space<semaphore_mem>>)
        %dma_wait3A_72 = arith.constant 0 : i32
        %dma_wait3A_73 = tpu.memref_slice %arg8[%add3A_49, %dma_wait3A_72] : memref<50x80xi32, #tpu.memory_space<vmem>> -> memref<1x80xi32, #tpu.memory_space<vmem>>
        %dma_wait3A_74 = tpu.memref_squeeze %dma_wait3A_73 : memref<1x80xi32, #tpu.memory_space<vmem>> -> memref<80xi32, #tpu.memory_space<vmem>>
        %dma_wait3A_75 = arith.constant 0 : i32
        %dma_wait3A_76 = arith.constant 0 : i32
        %dma_wait3A_77 = tpu.memref_slice %arg2[%dma_wait3A_75, %dma_wait3A_76] : memref<20000x128xf32, #tpu.memory_space<hbm>> -> memref<20000x128xf32, #tpu.memory_space<hbm>>
        tpu.wait_indirect_dma semaphore(%arg13 : memref<!tpu.dma_semaphore, #tpu.memory_space<semaphore_mem>>) src(%dma_wait3A_77 : memref<20000x128xf32, #tpu.memory_space<hbm>>) dst(%arg11 : memref<80x128xf32, #tpu.memory_space<vmem>>)
        %dma_start3A_78 = arith.constant 0 : i32
        %dma_start3A_79 = tpu.memref_slice %arg9[%add3A_49, %dma_start3A_78] : memref<50x80xi32, #tpu.memory_space<vmem>> -> memref<1x80xi32, #tpu.memory_space<vmem>>
        %dma_start3A_80 = tpu.memref_squeeze %dma_start3A_79 : memref<1x80xi32, #tpu.memory_space<vmem>> -> memref<80xi32, #tpu.memory_space<vmem>>
        %dma_start3A_81 = arith.constant 0 : i32
        %dma_start3A_82 = arith.constant 0 : i32
        %dma_start3A_83 = tpu.memref_slice %arg7[%dma_start3A_81, %dma_start3A_82] : memref<10008x128xf32, #tpu.memory_space<vmem_shared>> -> memref<10008x128xf32, #tpu.memory_space<vmem_shared>>
        tpu.enqueue_indirect_dma source(%arg11 : memref<80x128xf32, #tpu.memory_space<vmem>>) target(%dma_start3A_83 : memref<10008x128xf32, #tpu.memory_space<vmem_shared>>) offsets(%dma_start3A_80 : memref<80xi32, #tpu.memory_space<vmem>>) semaphore(%arg15 : memref<!tpu.dma_semaphore, #tpu.memory_space<semaphore_mem>>) {add = true}
        %dma_wait3A_84 = arith.constant 0 : i32
        %dma_wait3A_85 = tpu.memref_slice %arg9[%mul3A_47, %dma_wait3A_84] : memref<50x80xi32, #tpu.memory_space<vmem>> -> memref<1x80xi32, #tpu.memory_space<vmem>>
        %dma_wait3A_86 = tpu.memref_squeeze %dma_wait3A_85 : memref<1x80xi32, #tpu.memory_space<vmem>> -> memref<80xi32, #tpu.memory_space<vmem>>
        %dma_wait3A_87 = arith.constant 0 : i32
        %dma_wait3A_88 = arith.constant 0 : i32
        %dma_wait3A_89 = tpu.memref_slice %arg7[%dma_wait3A_87, %dma_wait3A_88] : memref<10008x128xf32, #tpu.memory_space<vmem_shared>> -> memref<10008x128xf32, #tpu.memory_space<vmem_shared>>
        tpu.wait_indirect_dma semaphore(%arg14 : memref<!tpu.dma_semaphore, #tpu.memory_space<semaphore_mem>>) src(%arg10 : memref<80x128xf32, #tpu.memory_space<vmem>>) dst(%dma_wait3A_89 : memref<10008x128xf32, #tpu.memory_space<vmem_shared>>)
        %add3A_90 = arith.constant 1 : i32
        %add3A_91 = arith.addi %scan3A_44, %add3A_90 : i32
        %lt3A = arith.constant 25 : i32
        %lt3A_92 = arith.cmpi slt, %add3A_91, %lt3A : i32
        %convert_element_type3A_93 = arith.extui %lt3A_92 : i1 to i32
        %cond3A_94 = arith.constant 0 : i32
        %cond3A_95 = arith.cmpi ne, %convert_element_type3A_93, %cond3A_94 : i32
        scf.if %cond3A_95 {
          %add3A_97 = arith.constant 2 : i32
          %add3A_98 = arith.addi %mul3A_47, %add3A_97 : i32
          %dma_start3A_99 = arith.constant 0 : i32
          %dma_start3A_100 = tpu.memref_slice %arg8[%add3A_98, %dma_start3A_99] : memref<50x80xi32, #tpu.memory_space<vmem>> -> memref<1x80xi32, #tpu.memory_space<vmem>>
          %dma_start3A_101 = tpu.memref_squeeze %dma_start3A_100 : memref<1x80xi32, #tpu.memory_space<vmem>> -> memref<80xi32, #tpu.memory_space<vmem>>
          %dma_start3A_102 = arith.constant 0 : i32
          %dma_start3A_103 = arith.constant 0 : i32
          %dma_start3A_104 = tpu.memref_slice %arg2[%dma_start3A_102, %dma_start3A_103] : memref<20000x128xf32, #tpu.memory_space<hbm>> -> memref<20000x128xf32, #tpu.memory_space<hbm>>
          tpu.enqueue_indirect_dma source(%dma_start3A_104 : memref<20000x128xf32, #tpu.memory_space<hbm>>) target(%arg10 : memref<80x128xf32, #tpu.memory_space<vmem>>) offsets(%dma_start3A_101 : memref<80xi32, #tpu.memory_space<vmem>>) semaphore(%arg12 : memref<!tpu.dma_semaphore, #tpu.memory_space<semaphore_mem>>)
        } else {
        }
        %scan3A_96 = arith.constant 0 : i32
        scf.yield %scan3A_96 : i32
      }
      %scan3A_36 = arith.constant 25 : i32
      %dma_wait3A = arith.constant 49 : i32
      %dma_wait3A_37 = arith.constant 0 : i32
      %dma_wait3A_38 = tpu.memref_slice %arg9[%dma_wait3A, %dma_wait3A_37] : memref<50x80xi32, #tpu.memory_space<vmem>> -> memref<1x80xi32, #tpu.memory_space<vmem>>
      %dma_wait3A_39 = tpu.memref_squeeze %dma_wait3A_38 : memref<1x80xi32, #tpu.memory_space<vmem>> -> memref<80xi32, #tpu.memory_space<vmem>>
      %dma_wait3A_40 = arith.constant 0 : i32
      %dma_wait3A_41 = arith.constant 0 : i32
      %dma_wait3A_42 = tpu.memref_slice %arg7[%dma_wait3A_40, %dma_wait3A_41] : memref<10008x128xf32, #tpu.memory_space<vmem_shared>> -> memref<10008x128xf32, #tpu.memory_space<vmem_shared>>
      tpu.wait_indirect_dma semaphore(%arg15 : memref<!tpu.dma_semaphore, #tpu.memory_space<semaphore_mem>>) src(%arg11 : memref<80x128xf32, #tpu.memory_space<vmem>>) dst(%dma_wait3A_42 : memref<10008x128xf32, #tpu.memory_space<vmem_shared>>)
      %scan3A_43 = arith.constant 0 : i32
      scf.yield %scan3A_43 : i32
    }
    %scan3A_10 = arith.constant 5 : i32
    %barrier3A_11 = arith.constant 0 : index
    tpu.barrier barrier_id(%barrier3A_11)
    %mul3A_12 = arith.constant 625 : i32
    %mul3A_13 = arith.muli %arg1, %mul3A_12 : i32
    %mul3A_14 = arith.constant 10000 : i32
    %mul3A_15 = arith.muli %arg0, %mul3A_14 : i32
    %mul3A_16 = arith.constant 625 : i32
    %mul3A_17 = arith.muli %arg1, %mul3A_16 : i32
    %add3A = arith.addi %mul3A_15, %mul3A_17 : i32
    "tpu.region"() ({
      %run_scoped3A = tpu.sem_alloc : memref<!tpu.dma_semaphore, #tpu.memory_space<semaphore_mem>>
      %dma_start3A = arith.constant 0 : i32
      %dma_start3A_18 = tpu.memref_slice %arg6[%add3A, %dma_start3A] : memref<20000x128xf32, #tpu.memory_space<hbm>> -> memref<625x128xf32, #tpu.memory_space<hbm>>
      %dma_start3A_19 = arith.constant 0 : i32
      %dma_start3A_20 = tpu.memref_slice %arg7[%mul3A_13, %dma_start3A_19] : memref<10008x128xf32, #tpu.memory_space<vmem_shared>> -> memref<625x128xf32, #tpu.memory_space<vmem_shared>>
      tpu.enqueue_dma source(%dma_start3A_20 : memref<625x128xf32, #tpu.memory_space<vmem_shared>>) target(%dma_start3A_18 : memref<625x128xf32, #tpu.memory_space<hbm>>) target_semaphore(%run_scoped3A : memref<!tpu.dma_semaphore, #tpu.memory_space<semaphore_mem>>)
      %dma_wait3A = arith.constant 0 : i32
      %dma_wait3A_21 = tpu.memref_slice %arg6[%add3A, %dma_wait3A] : memref<20000x128xf32, #tpu.memory_space<hbm>> -> memref<625x128xf32, #tpu.memory_space<hbm>>
      %dma_wait3A_22 = arith.constant 0 : i32
      %dma_wait3A_23 = tpu.memref_slice %arg7[%mul3A_13, %dma_wait3A_22] : memref<10008x128xf32, #tpu.memory_space<vmem_shared>> -> memref<625x128xf32, #tpu.memory_space<vmem_shared>>
      tpu.wait_dma2 semaphore(%run_scoped3A : memref<!tpu.dma_semaphore, #tpu.memory_space<semaphore_mem>>) src(%dma_wait3A_23 : memref<625x128xf32, #tpu.memory_space<vmem_shared>>) dst(%dma_wait3A_21 : memref<625x128xf32, #tpu.memory_space<hbm>>)
      tpu.yield
    }) : () -> ()
    return
  }
}

module attributes {stable_mosaic.version = 14 : i64} {
  func.func @_prep_k(%arg0: i32, %arg1: memref<2000x128xf32, #tpu.memory_space<vmem>>, %arg2: memref<2000x16xf32, #tpu.memory_space<vmem>>, %arg3: memref<1x128x128xf32, #tpu.memory_space<vmem>>, %arg4: memref<2000x128xf32, #tpu.memory_space<vmem>>, %arg5: memref<2000x128xf32, #tpu.memory_space<vmem>>) attributes {dimension_semantics = [#tpu.dimension_semantics<arbitrary>], iteration_bounds = array<i64: 10>, scalar_prefetch = 0 : i64, scratch_operands = 0 : i64, tpu.core_type = #tpu.core_type<tc>, window_params = [{transform_indices = @transform_0, window_bounds = array<i64: 2000, 128>}, {transform_indices = @transform_1, window_bounds = array<i64: 2000, 16>}, {transform_indices = @transform_2, window_bounds = array<i64: 1, 128, 128>}, {transform_indices = @transform_3, window_bounds = array<i64: 2000, 128>}, {transform_indices = @transform_4, window_bounds = array<i64: 2000, 128>}]} {
    %get3A = arith.constant 0 : index
    %get3A_0 = arith.constant 0 : index
    %get3A_1 = vector.load %arg2[%get3A, %get3A_0] : memref<2000x16xf32, #tpu.memory_space<vmem>>, vector<2000x1xf32>
    %add3A = arith.constant 1.000000e+00 : f32
    %add3A_2 = vector.broadcast %add3A : f32 to vector<2000x1xf32>
    %add3A_3 = arith.addf %get3A_1, %add3A_2 : vector<2000x1xf32>
    %rsqrt3A = math.rsqrt %add3A_3 : vector<2000x1xf32>
    %get3A_4 = arith.constant 0 : index
    %get3A_5 = arith.constant 0 : index
    %get3A_6 = vector.load %arg1[%get3A_4, %get3A_5] : memref<2000x128xf32, #tpu.memory_space<vmem>>, vector<2000x128xf32>
    %get3A_7 = arith.constant 0 : index
    %get3A_8 = arith.constant 0 : index
    %get3A_9 = arith.constant 0 : index
    %get3A_10 = vector.load %arg3[%get3A_7, %get3A_8, %get3A_9] : memref<1x128x128xf32, #tpu.memory_space<vmem>>, vector<1x128x128xf32>
    %get3A_11 = vector.shape_cast %get3A_10 : vector<1x128x128xf32> to vector<128x128xf32>
    %dot_general3A = arith.constant dense<0.000000e+00> : vector<2000x128xf32>
    %dot_general3A_12 = tpu.matmul %get3A_6, %get3A_11, %dot_general3A {dimension_numbers = #tpu.dot_dimension_numbers<[1], [0], [0], [1], [0, 0, 1, 1], [], []>, transpose_lhs_hint = false} : vector<2000x128xf32>, vector<128x128xf32>, vector<2000x128xf32> -> vector<2000x128xf32>
    %mul3A = vector.broadcast %rsqrt3A : vector<2000x1xf32> to vector<2000x128xf32>
    %mul3A_13 = arith.mulf %dot_general3A_12, %mul3A : vector<2000x128xf32>
    %swap3A = arith.constant 0 : index
    %swap3A_14 = arith.constant 0 : index
    %swap3A_15 = vector.load %arg4[%swap3A, %swap3A_14] : memref<2000x128xf32, #tpu.memory_space<vmem>>, vector<2000x128xf32>
    tpu.vector_store %arg4[%swap3A, %swap3A_14], %mul3A_13 {strides = array<i32>} : memref<2000x128xf32, #tpu.memory_space<vmem>>, vector<2000x128xf32>,
    %broadcast_in_dim3A = vector.shape_cast %rsqrt3A : vector<2000x1xf32> to vector<2000x1xf32>
    %broadcast_in_dim3A_16 = vector.broadcast %broadcast_in_dim3A : vector<2000x1xf32> to vector<2000x128xf32>
    %swap3A_17 = arith.constant 0 : index
    %swap3A_18 = arith.constant 0 : index
    %swap3A_19 = vector.load %arg5[%swap3A_17, %swap3A_18] : memref<2000x128xf32, #tpu.memory_space<vmem>>, vector<2000x128xf32>
    tpu.vector_store %arg5[%swap3A_17, %swap3A_18], %broadcast_in_dim3A_16 {strides = array<i32>} : memref<2000x128xf32, #tpu.memory_space<vmem>>, vector<2000x128xf32>,
    return
  }
  func.func @transform_0(%arg0: i32) -> (i32, i32) {
    %c0_i32 = arith.constant 0 : i32
    %c0_i32_0 = arith.constant 0 : i32
    return %arg0, %c0_i32 : i32, i32
  }
  func.func @transform_1(%arg0: i32) -> (i32, i32) {
    %c0_i32 = arith.constant 0 : i32
    %c0_i32_0 = arith.constant 0 : i32
    return %arg0, %c0_i32 : i32, i32
  }
  func.func @transform_2(%arg0: i32) -> (i32, i32, i32) {
    %jit3A = arith.constant 5 : i32
    %div3A = arith.divsi %arg0, %jit3A : i32
    %sign3A = arith.constant 0 : i32
    %sign3A_0 = arith.cmpi sgt, %arg0, %sign3A : i32
    %sign3A_1 = arith.extui %sign3A_0 : i1 to i32
    %sign3A_2 = arith.constant 0 : i32
    %sign3A_3 = arith.cmpi slt, %arg0, %sign3A_2 : i32
    %sign3A_4 = arith.extui %sign3A_3 : i1 to i32
    %sign3A_5 = arith.subi %sign3A_1, %sign3A_4 : i32
    %sign3A_6 = arith.constant 0 : i32
    %sign3A_7 = arith.cmpi sgt, %jit3A, %sign3A_6 : i32
    %sign3A_8 = arith.extui %sign3A_7 : i1 to i32
    %sign3A_9 = arith.constant 0 : i32
    %sign3A_10 = arith.cmpi slt, %jit3A, %sign3A_9 : i32
    %sign3A_11 = arith.extui %sign3A_10 : i1 to i32
    %sign3A_12 = arith.subi %sign3A_8, %sign3A_11 : i32
    %ne3A = arith.cmpi ne, %sign3A_5, %sign3A_12 : i32
    %rem3A = arith.remsi %arg0, %jit3A : i32
    %ne3A_13 = arith.constant 0 : i32
    %ne3A_14 = arith.cmpi ne, %rem3A, %ne3A_13 : i32
    %and3A = arith.andi %ne3A, %ne3A_14 : i1
    %sub3A = arith.constant 1 : i32
    %sub3A_15 = arith.subi %div3A, %sub3A : i32
    %select_n3A = arith.select %and3A, %sub3A_15, %div3A : i32
    %c0_i32 = arith.constant 0 : i32
    %c0_i32_16 = arith.constant 0 : i32
    %c0_i32_17 = arith.constant 0 : i32
    return %select_n3A, %c0_i32, %c0_i32_16 : i32, i32, i32
  }
  func.func @transform_3(%arg0: i32) -> (i32, i32) {
    %c0_i32 = arith.constant 0 : i32
    %c0_i32_0 = arith.constant 0 : i32
    return %arg0, %c0_i32 : i32, i32
  }
  func.func @transform_4(%arg0: i32) -> (i32, i32) {
    %c0_i32 = arith.constant 0 : i32
    %c0_i32_0 = arith.constant 0 : i32
    return %arg0, %c0_i32 : i32, i32
  }
}

module attributes {stable_mosaic.version = 14 : i64} {
  func.func @_mid_k(%arg0: i32, %arg1: memref<2000x128xf32, #tpu.memory_space<vmem>>, %arg2: memref<2000x128xf32, #tpu.memory_space<vmem>>, %arg3: memref<2000x128xf32, #tpu.memory_space<vmem>>, %arg4: memref<1x1x128xf32, #tpu.memory_space<vmem>>, %arg5: memref<1x128x128xf32, #tpu.memory_space<vmem>>, %arg6: memref<2000x128xf32, #tpu.memory_space<vmem>>) attributes {dimension_semantics = [#tpu.dimension_semantics<arbitrary>], iteration_bounds = array<i64: 10>, scalar_prefetch = 0 : i64, scratch_operands = 0 : i64, tpu.core_type = #tpu.core_type<tc>, window_params = [{transform_indices = @transform_0, window_bounds = array<i64: 2000, 128>}, {transform_indices = @transform_1, window_bounds = array<i64: 2000, 128>}, {transform_indices = @transform_2, window_bounds = array<i64: 2000, 128>}, {transform_indices = @transform_3, window_bounds = array<i64: 1, 1, 128>}, {transform_indices = @transform_4, window_bounds = array<i64: 1, 128, 128>}, {transform_indices = @transform_5, window_bounds = array<i64: 2000, 128>}]} {
    %get3A = arith.constant 0 : index
    %get3A_0 = arith.constant 0 : index
    %get3A_1 = vector.load %arg3[%get3A, %get3A_0] : memref<2000x128xf32, #tpu.memory_space<vmem>>, vector<2000x128xf32>
    %get3A_2 = arith.constant 0 : index
    %get3A_3 = arith.constant 0 : index
    %get3A_4 = vector.load %arg1[%get3A_2, %get3A_3] : memref<2000x128xf32, #tpu.memory_space<vmem>>, vector<2000x128xf32>
    %get3A_5 = arith.constant 0 : index
    %get3A_6 = arith.constant 0 : index
    %get3A_7 = vector.load %arg2[%get3A_5, %get3A_6] : memref<2000x128xf32, #tpu.memory_space<vmem>>, vector<2000x128xf32>
    %add3A = arith.addf %get3A_4, %get3A_7 : vector<2000x128xf32>
    %mul3A = arith.mulf %get3A_1, %add3A : vector<2000x128xf32>
    %get3A_8 = arith.constant 0 : index
    %get3A_9 = arith.constant 0 : index
    %get3A_10 = arith.constant 0 : index
    %get3A_11 = vector.load %arg4[%get3A_8, %get3A_9, %get3A_10] : memref<1x1x128xf32, #tpu.memory_space<vmem>>, vector<1x1x128xf32>
    %get3A_12 = vector.shape_cast %get3A_11 : vector<1x1x128xf32> to vector<1x128xf32>
    %add3A_13 = vector.broadcast %get3A_12 : vector<1x128xf32> to vector<2000x128xf32>
    %add3A_14 = arith.addf %mul3A, %add3A_13 : vector<2000x128xf32>
    %max3A = arith.constant 0.000000e+00 : f32
    %max3A_15 = vector.broadcast %max3A : f32 to vector<2000x128xf32>
    %max3A_16 = arith.maximumf %add3A_14, %max3A_15 : vector<2000x128xf32>
    %get3A_17 = arith.constant 0 : index
    %get3A_18 = arith.constant 0 : index
    %get3A_19 = arith.constant 0 : index
    %get3A_20 = vector.load %arg5[%get3A_17, %get3A_18, %get3A_19] : memref<1x128x128xf32, #tpu.memory_space<vmem>>, vector<1x128x128xf32>
    %get3A_21 = vector.shape_cast %get3A_20 : vector<1x128x128xf32> to vector<128x128xf32>
    %dot_general3A = arith.constant dense<0.000000e+00> : vector<2000x128xf32>
    %dot_general3A_22 = tpu.matmul %max3A_16, %get3A_21, %dot_general3A {dimension_numbers = #tpu.dot_dimension_numbers<[1], [0], [0], [1], [0, 0, 1, 1], [], []>, transpose_lhs_hint = false} : vector<2000x128xf32>, vector<128x128xf32>, vector<2000x128xf32> -> vector<2000x128xf32>
    %get3A_23 = arith.constant 0 : index
    %get3A_24 = arith.constant 0 : index
    %get3A_25 = vector.load %arg3[%get3A_23, %get3A_24] : memref<2000x128xf32, #tpu.memory_space<vmem>>, vector<2000x128xf32>
    %mul3A_26 = arith.mulf %dot_general3A_22, %get3A_25 : vector<2000x128xf32>
    %swap3A = arith.constant 0 : index
    %swap3A_27 = arith.constant 0 : index
    %swap3A_28 = vector.load %arg6[%swap3A, %swap3A_27] : memref<2000x128xf32, #tpu.memory_space<vmem>>, vector<2000x128xf32>
    tpu.vector_store %arg6[%swap3A, %swap3A_27], %mul3A_26 {strides = array<i32>} : memref<2000x128xf32, #tpu.memory_space<vmem>>, vector<2000x128xf32>,
    return
  }
  func.func @transform_0(%arg0: i32) -> (i32, i32) {
    %c0_i32 = arith.constant 0 : i32
    %c0_i32_0 = arith.constant 0 : i32
    return %arg0, %c0_i32 : i32, i32
  }
  func.func @transform_1(%arg0: i32) -> (i32, i32) {
    %c0_i32 = arith.constant 0 : i32
    %c0_i32_0 = arith.constant 0 : i32
    return %arg0, %c0_i32 : i32, i32
  }
  func.func @transform_2(%arg0: i32) -> (i32, i32) {
    %c0_i32 = arith.constant 0 : i32
    %c0_i32_0 = arith.constant 0 : i32
    return %arg0, %c0_i32 : i32, i32
  }
  func.func @transform_3(%arg0: i32) -> (i32, i32, i32) {
    %jit3A = arith.constant 5 : i32
    %div3A = arith.divsi %arg0, %jit3A : i32
    %sign3A = arith.constant 0 : i32
    %sign3A_0 = arith.cmpi sgt, %arg0, %sign3A : i32
    %sign3A_1 = arith.extui %sign3A_0 : i1 to i32
    %sign3A_2 = arith.constant 0 : i32
    %sign3A_3 = arith.cmpi slt, %arg0, %sign3A_2 : i32
    %sign3A_4 = arith.extui %sign3A_3 : i1 to i32
    %sign3A_5 = arith.subi %sign3A_1, %sign3A_4 : i32
    %sign3A_6 = arith.constant 0 : i32
    %sign3A_7 = arith.cmpi sgt, %jit3A, %sign3A_6 : i32
    %sign3A_8 = arith.extui %sign3A_7 : i1 to i32
    %sign3A_9 = arith.constant 0 : i32
    %sign3A_10 = arith.cmpi slt, %jit3A, %sign3A_9 : i32
    %sign3A_11 = arith.extui %sign3A_10 : i1 to i32
    %sign3A_12 = arith.subi %sign3A_8, %sign3A_11 : i32
    %ne3A = arith.cmpi ne, %sign3A_5, %sign3A_12 : i32
    %rem3A = arith.remsi %arg0, %jit3A : i32
    %ne3A_13 = arith.constant 0 : i32
    %ne3A_14 = arith.cmpi ne, %rem3A, %ne3A_13 : i32
    %and3A = arith.andi %ne3A, %ne3A_14 : i1
    %sub3A = arith.constant 1 : i32
    %sub3A_15 = arith.subi %div3A, %sub3A : i32
    %select_n3A = arith.select %and3A, %sub3A_15, %div3A : i32
    %c0_i32 = arith.constant 0 : i32
    %c0_i32_16 = arith.constant 0 : i32
    %c0_i32_17 = arith.constant 0 : i32
    return %select_n3A, %c0_i32, %c0_i32_16 : i32, i32, i32
  }
  func.func @transform_4(%arg0: i32) -> (i32, i32, i32) {
    %jit3A = arith.constant 5 : i32
    %div3A = arith.divsi %arg0, %jit3A : i32
    %sign3A = arith.constant 0 : i32
    %sign3A_0 = arith.cmpi sgt, %arg0, %sign3A : i32
    %sign3A_1 = arith.extui %sign3A_0 : i1 to i32
    %sign3A_2 = arith.constant 0 : i32
    %sign3A_3 = arith.cmpi slt, %arg0, %sign3A_2 : i32
    %sign3A_4 = arith.extui %sign3A_3 : i1 to i32
    %sign3A_5 = arith.subi %sign3A_1, %sign3A_4 : i32
    %sign3A_6 = arith.constant 0 : i32
    %sign3A_7 = arith.cmpi sgt, %jit3A, %sign3A_6 : i32
    %sign3A_8 = arith.extui %sign3A_7 : i1 to i32
    %sign3A_9 = arith.constant 0 : i32
    %sign3A_10 = arith.cmpi slt, %jit3A, %sign3A_9 : i32
    %sign3A_11 = arith.extui %sign3A_10 : i1 to i32
    %sign3A_12 = arith.subi %sign3A_8, %sign3A_11 : i32
    %ne3A = arith.cmpi ne, %sign3A_5, %sign3A_12 : i32
    %rem3A = arith.remsi %arg0, %jit3A : i32
    %ne3A_13 = arith.constant 0 : i32
    %ne3A_14 = arith.cmpi ne, %rem3A, %ne3A_13 : i32
    %and3A = arith.andi %ne3A, %ne3A_14 : i1
    %sub3A = arith.constant 1 : i32
    %sub3A_15 = arith.subi %div3A, %sub3A : i32
    %select_n3A = arith.select %and3A, %sub3A_15, %div3A : i32
    %c0_i32 = arith.constant 0 : i32
    %c0_i32_16 = arith.constant 0 : i32
    %c0_i32_17 = arith.constant 0 : i32
    return %select_n3A, %c0_i32, %c0_i32_16 : i32, i32, i32
  }
  func.func @transform_5(%arg0: i32) -> (i32, i32) {
    %c0_i32 = arith.constant 0 : i32
    %c0_i32_0 = arith.constant 0 : i32
    return %arg0, %c0_i32 : i32, i32
  }
}

module attributes {stable_mosaic.version = 14 : i64} {
  func.func @_pool_k(%arg0: i32, %arg1: memref<2000x128xf32, #tpu.memory_space<vmem>>, %arg2: memref<2000x128xf32, #tpu.memory_space<vmem>>, %arg3: memref<2000x128xf32, #tpu.memory_space<vmem>>, %arg4: memref<1x128xf32, #tpu.memory_space<vmem>>, %arg5: memref<2000x1xi32, #tpu.memory_space<vmem>>, %arg6: memref<64x128xf32, #tpu.memory_space<vmem>>, %arg7: memref<64x128xf32, #tpu.memory_space<vmem>>) attributes {dimension_semantics = [#tpu.dimension_semantics<arbitrary>], iteration_bounds = array<i64: 5>, scalar_prefetch = 0 : i64, scratch_operands = 1 : i64, tpu.core_type = #tpu.core_type<tc>, window_params = [{transform_indices = @transform_0, window_bounds = array<i64: 2000, 128>}, {transform_indices = @transform_1, window_bounds = array<i64: 2000, 128>}, {transform_indices = @transform_2, window_bounds = array<i64: 2000, 128>}, {pipeline_mode = #tpu.pipeline_mode<synchronous>, transform_indices = @transform_3, window_bounds = array<i64: 1, 128>}, {transform_indices = @transform_4, window_bounds = array<i64: 2000, 1>}, {pipeline_mode = #tpu.pipeline_mode<synchronous>, transform_indices = @transform_5, window_bounds = array<i64: 64, 128>}]} {
    %get3A = arith.constant 0 : index
    %get3A_0 = arith.constant 0 : index
    %get3A_1 = vector.load %arg3[%get3A, %get3A_0] : memref<2000x128xf32, #tpu.memory_space<vmem>>, vector<2000x128xf32>
    %get3A_2 = arith.constant 0 : index
    %get3A_3 = arith.constant 0 : index
    %get3A_4 = vector.load %arg1[%get3A_2, %get3A_3] : memref<2000x128xf32, #tpu.memory_space<vmem>>, vector<2000x128xf32>
    %get3A_5 = arith.constant 0 : index
    %get3A_6 = arith.constant 0 : index
    %get3A_7 = vector.load %arg2[%get3A_5, %get3A_6] : memref<2000x128xf32, #tpu.memory_space<vmem>>, vector<2000x128xf32>
    %add3A = arith.addf %get3A_4, %get3A_7 : vector<2000x128xf32>
    %mul3A = arith.mulf %get3A_1, %add3A : vector<2000x128xf32>
    %get3A_8 = arith.constant 0 : index
    %get3A_9 = arith.constant 0 : index
    %get3A_10 = vector.load %arg4[%get3A_8, %get3A_9] : memref<1x128xf32, #tpu.memory_space<vmem>>, vector<1x128xf32>
    %add3A_11 = vector.broadcast %get3A_10 : vector<1x128xf32> to vector<2000x128xf32>
    %add3A_12 = arith.addf %mul3A, %add3A_11 : vector<2000x128xf32>
    %max3A = arith.constant 0.000000e+00 : f32
    %max3A_13 = vector.broadcast %max3A : f32 to vector<2000x128xf32>
    %max3A_14 = arith.maximumf %add3A_12, %max3A_13 : vector<2000x128xf32>
    %get3A_15 = arith.constant 0 : index
    %get3A_16 = arith.constant 0 : index
    %get3A_17 = vector.load %arg5[%get3A_15, %get3A_16] : memref<2000x1xi32, #tpu.memory_space<vmem>>, vector<2000x1xi32>
    %iota3A = tpu.iota {dimensions = array<i32: 0>} : vector<64x1xi32>
    %broadcast_in_dim3A = arith.constant 0xFF800000 : f32
    %broadcast_in_dim3A_18 = vector.broadcast %broadcast_in_dim3A : f32 to vector<64x128xf32>
    %scan3A = arith.constant 0 : i32
    %scan3A_19 = arith.constant 64 : i32
    %scan3A_20 = arith.addi %scan3A, %scan3A_19 : i32
    %scan3A_21 = arith.constant 1 : i32
    %scan3A_22 = scf.for %scan3A_37 = %scan3A to %scan3A_20 step %scan3A_21 iter_args(%scan3A_38 = %broadcast_in_dim3A_18) -> (vector<64x128xf32>)  : i32 {
      %eq3A_39 = vector.broadcast %scan3A_37 : i32 to vector<2000x1xi32>
      %eq3A_40 = arith.cmpi eq, %get3A_17, %eq3A_39 : vector<2000x1xi32>
      %jit3A = arith.constant 0xFF800000 : f32
      %broadcast_in_dim3A_41 = vector.shape_cast %eq3A_40 : vector<2000x1xi1> to vector<2000x1xi1>
      %broadcast_in_dim3A_42 = vector.broadcast %broadcast_in_dim3A_41 : vector<2000x1xi1> to vector<2000x128xi1>
      %broadcast_in_dim3A_43 = vector.broadcast %jit3A : f32 to vector<2000x128xf32>
      %select_n3A = arith.select %broadcast_in_dim3A_42, %max3A_14, %broadcast_in_dim3A_43 : vector<2000x128xi1>, vector<2000x128xf32>
      %reduce_max3A = arith.constant dense<0xFF800000> : vector<128xf32>
      %reduce_max3A_44 = vector.multi_reduction <maximumf>, %select_n3A, %reduce_max3A [0] : vector<2000x128xf32> to vector<128xf32>
      %broadcast_in_dim3A_45 = vector.shape_cast %reduce_max3A_44 : vector<128xf32> to vector<1x128xf32>
      %eq3A_46 = vector.broadcast %scan3A_37 : i32 to vector<64x1xi32>
      %eq3A_47 = arith.cmpi eq, %iota3A, %eq3A_46 : vector<64x1xi32>
      %max3A_48 = vector.broadcast %broadcast_in_dim3A_45 : vector<1x128xf32> to vector<64x128xf32>
      %max3A_49 = arith.maximumf %scan3A_38, %max3A_48 : vector<64x128xf32>
      %broadcast_in_dim3A_50 = vector.shape_cast %eq3A_47 : vector<64x1xi1> to vector<64x1xi1>
      %broadcast_in_dim3A_51 = vector.broadcast %broadcast_in_dim3A_50 : vector<64x1xi1> to vector<64x128xi1>
      %select_n3A_52 = arith.select %broadcast_in_dim3A_51, %max3A_49, %scan3A_38 : vector<64x128xi1>, vector<64x128xf32>
      scf.yield %select_n3A_52 : vector<64x128xf32>
    }
    %scan3A_23 = arith.constant 64 : i32
    %eq3A = arith.constant 0 : i32
    %eq3A_24 = arith.cmpi eq, %arg0, %eq3A : i32
    %convert_element_type3A = arith.extui %eq3A_24 : i1 to i32
    %cond3A = arith.constant 0 : i32
    %cond3A_25 = arith.cmpi ne, %convert_element_type3A, %cond3A : i32
    scf.if %cond3A_25 {
      %broadcast_in_dim3A_37 = arith.constant 0xFF800000 : f32
      %broadcast_in_dim3A_38 = vector.broadcast %broadcast_in_dim3A_37 : f32 to vector<64x128xf32>
      %swap3A_39 = arith.constant 0 : index
      %swap3A_40 = arith.constant 0 : index
      %swap3A_41 = vector.load %arg7[%swap3A_39, %swap3A_40] : memref<64x128xf32, #tpu.memory_space<vmem>>, vector<64x128xf32>
      tpu.vector_store %arg7[%swap3A_39, %swap3A_40], %broadcast_in_dim3A_38 {strides = array<i32>} : memref<64x128xf32, #tpu.memory_space<vmem>>, vector<64x128xf32>,
    } else {
    }
    %get3A_26 = arith.constant 0 : index
    %get3A_27 = arith.constant 0 : index
    %get3A_28 = vector.load %arg7[%get3A_26, %get3A_27] : memref<64x128xf32, #tpu.memory_space<vmem>>, vector<64x128xf32>
    %max3A_29 = arith.maximumf %get3A_28, %scan3A_22 : vector<64x128xf32>
    %swap3A = arith.constant 0 : index
    %swap3A_30 = arith.constant 0 : index
    %swap3A_31 = vector.load %arg7[%swap3A, %swap3A_30] : memref<64x128xf32, #tpu.memory_space<vmem>>, vector<64x128xf32>
    tpu.vector_store %arg7[%swap3A, %swap3A_30], %max3A_29 {strides = array<i32>} : memref<64x128xf32, #tpu.memory_space<vmem>>, vector<64x128xf32>,
    %eq3A_32 = arith.constant 4 : i32
    %eq3A_33 = arith.cmpi eq, %arg0, %eq3A_32 : i32
    %convert_element_type3A_34 = arith.extui %eq3A_33 : i1 to i32
    %cond3A_35 = arith.constant 0 : i32
    %cond3A_36 = arith.cmpi ne, %convert_element_type3A_34, %cond3A_35 : i32
    scf.if %cond3A_36 {
      %get3A_37 = arith.constant 0 : index
      %get3A_38 = arith.constant 0 : index
      %get3A_39 = vector.load %arg7[%get3A_37, %get3A_38] : memref<64x128xf32, #tpu.memory_space<vmem>>, vector<64x128xf32>
      %is_finite3A = tpu.weird %get3A_39 : vector<64x128xf32> -> vector<64x128xi1>
      %is_finite3A_40 = arith.constant dense<true> : vector<64x128xi1>
      %is_finite3A_41 = arith.xori %is_finite3A, %is_finite3A_40 : vector<64x128xi1>
      %jit3A = arith.constant 0.000000e+00 : f32
      %broadcast_in_dim3A_42 = vector.broadcast %jit3A : f32 to vector<64x128xf32>
      %select_n3A = arith.select %is_finite3A_41, %get3A_39, %broadcast_in_dim3A_42 : vector<64x128xi1>, vector<64x128xf32>
      %swap3A_43 = arith.constant 0 : index
      %swap3A_44 = arith.constant 0 : index
      %swap3A_45 = vector.load %arg6[%swap3A_43, %swap3A_44] : memref<64x128xf32, #tpu.memory_space<vmem>>, vector<64x128xf32>
      tpu.vector_store %arg6[%swap3A_43, %swap3A_44], %select_n3A {strides = array<i32>} : memref<64x128xf32, #tpu.memory_space<vmem>>, vector<64x128xf32>,
    } else {
    }
    return
  }
  func.func @transform_0(%arg0: i32) -> (i32, i32) {
    %c0_i32 = arith.constant 0 : i32
    %c0_i32_0 = arith.constant 0 : i32
    return %arg0, %c0_i32 : i32, i32
  }
  func.func @transform_1(%arg0: i32) -> (i32, i32) {
    %c0_i32 = arith.constant 0 : i32
    %c0_i32_0 = arith.constant 0 : i32
    return %arg0, %c0_i32 : i32, i32
  }
  func.func @transform_2(%arg0: i32) -> (i32, i32) {
    %c0_i32 = arith.constant 0 : i32
    %c0_i32_0 = arith.constant 0 : i32
    return %arg0, %c0_i32 : i32, i32
  }
  func.func @transform_3(%arg0: i32) -> (i32, i32) {
    %c0_i32 = arith.constant 0 : i32
    %c0_i32_0 = arith.constant 0 : i32
    %c0_i32_1 = arith.constant 0 : i32
    return %c0_i32, %c0_i32_0 : i32, i32
  }
  func.func @transform_4(%arg0: i32) -> (i32, i32) {
    %c0_i32 = arith.constant 0 : i32
    %c0_i32_0 = arith.constant 0 : i32
    return %arg0, %c0_i32 : i32, i32
  }
  func.func @transform_5(%arg0: i32) -> (i32, i32) {
    %c0_i32 = arith.constant 0 : i32
    %c0_i32_0 = arith.constant 0 : i32
    %c0_i32_1 = arith.constant 0 : i32
    return %c0_i32, %c0_i32_0 : i32, i32
  }
}

module attributes {stable_mosaic.version = 14 : i64} {
  func.func @_head_k(%arg0: memref<64x128xf32, #tpu.memory_space<vmem>>, %arg1: memref<64x128xf32, #tpu.memory_space<vmem>>, %arg2: memref<256x256xf32, #tpu.memory_space<vmem>>, %arg3: memref<1x256xf32, #tpu.memory_space<vmem>>, %arg4: memref<1x256xf32, #tpu.memory_space<vmem>>, %arg5: memref<1x1xf32, #tpu.memory_space<vmem>>, %arg6: memref<64x1xf32, #tpu.memory_space<vmem>>) attributes {dimension_semantics = [], scalar_prefetch = 0 : i64, scratch_operands = 0 : i64, tpu.core_type = #tpu.core_type<tc>} {
    %get3A = arith.constant 0 : index
    %get3A_0 = arith.constant 0 : index
    %get3A_1 = vector.load %arg0[%get3A, %get3A_0] : memref<64x128xf32, #tpu.memory_space<vmem>>, vector<64x128xf32>
    %get3A_2 = arith.constant 0 : index
    %get3A_3 = arith.constant 0 : index
    %get3A_4 = vector.load %arg1[%get3A_2, %get3A_3] : memref<64x128xf32, #tpu.memory_space<vmem>>, vector<64x128xf32>
    %concatenate3A = tpu.concatenate %get3A_1, %get3A_4 in 1 : vector<64x128xf32>, vector<64x128xf32> -> vector<64x256xf32>
    %get3A_5 = arith.constant 0 : index
    %get3A_6 = arith.constant 0 : index
    %get3A_7 = vector.load %arg2[%get3A_5, %get3A_6] : memref<256x256xf32, #tpu.memory_space<vmem>>, vector<256x256xf32>
    %dot_general3A = arith.constant dense<0.000000e+00> : vector<64x256xf32>
    %dot_general3A_8 = tpu.matmul %concatenate3A, %get3A_7, %dot_general3A {dimension_numbers = #tpu.dot_dimension_numbers<[1], [0], [0], [1], [0, 0, 1, 1], [], []>, transpose_lhs_hint = false} : vector<64x256xf32>, vector<256x256xf32>, vector<64x256xf32> -> vector<64x256xf32>
    %get3A_9 = arith.constant 0 : index
    %get3A_10 = arith.constant 0 : index
    %get3A_11 = vector.load %arg3[%get3A_9, %get3A_10] : memref<1x256xf32, #tpu.memory_space<vmem>>, vector<1x256xf32>
    %add3A = vector.broadcast %get3A_11 : vector<1x256xf32> to vector<64x256xf32>
    %add3A_12 = arith.addf %dot_general3A_8, %add3A : vector<64x256xf32>
    %get3A_13 = arith.constant 0 : index
    %get3A_14 = arith.constant 0 : index
    %get3A_15 = vector.load %arg4[%get3A_13, %get3A_14] : memref<1x256xf32, #tpu.memory_space<vmem>>, vector<1x256xf32>
    %mul3A = vector.broadcast %get3A_15 : vector<1x256xf32> to vector<64x256xf32>
    %mul3A_16 = arith.mulf %add3A_12, %mul3A : vector<64x256xf32>
    %reduce_sum3A = arith.constant dense<0.000000e+00> : vector<64xf32>
    %reduce_sum3A_17 = vector.multi_reduction <add>, %mul3A_16, %reduce_sum3A [1] : vector<64x256xf32> to vector<64xf32>
    %broadcast_in_dim3A = vector.shape_cast %reduce_sum3A_17 : vector<64xf32> to vector<64x1xf32>
    %get3A_18 = arith.constant 0 : index
    %get3A_19 = arith.constant 0 : index
    %get3A_20 = vector.load %arg5[%get3A_18, %get3A_19] : memref<1x1xf32, #tpu.memory_space<vmem>>, vector<1x1xf32>
    %add3A_21 = vector.broadcast %get3A_20 : vector<1x1xf32> to vector<64x1xf32>
    %add3A_22 = arith.addf %broadcast_in_dim3A, %add3A_21 : vector<64x1xf32>
    %swap3A = arith.constant 0 : index
    %swap3A_23 = arith.constant 0 : index
    %swap3A_24 = vector.load %arg6[%swap3A, %swap3A_23] : memref<64x1xf32, #tpu.memory_space<vmem>>, vector<64x1xf32>
    tpu.vector_store %arg6[%swap3A, %swap3A_23], %add3A_22 {strides = array<i32>} : memref<64x1xf32, #tpu.memory_space<vmem>>, vector<64x1xf32>,
    return
  }
}

</mosaic_0001>

<sc_bundles>
// kernel: kernel.12.cloned.1.call-start
scs
__scs_entry_jumppad:
0x0: {  	(pc) =	sbr.rel $0x88, $3  }
0x1: {  	(tag) =	ssettag $0x0;
	lr =	simm.s32 $0x1  }
0x2: {  	[smem:$0x3F93] =	sst lr;
	_ =	strace $0xD0000000  }
0x3: {  	_ = 	snop  }
0x4: {  	_ = 	snop  }
0x5: {  	_ = 	snop  }
0x6: {  	_ = 	snop  }
0x7: {  	_ = 	snop  }
__scs_overlays_trampoline_lowered:
0x8: {  	[smem:$0x3FA2] =	sst s0  }
0x9: {  	[smem:$0x3FA3] =	sst s1  }
0xa: {  	[smem:$0x3FA4] =	sst s2  }
0xb: {  	[smem:$0x3FA5] =	sst s3  }
0xc: {  	[smem:$0x3FA6] =	sst s4  }
0xd: {  	[smem:$0x3FA7] =	sst s5  }
0xe: {  	[smem:$0x3FA8] =	sst s6  }
0xf: {  	[smem:$0x3FA9] =	sst s7  }
0x10: {  	[smem:$0x3FAA] =	sst s8  }
0x11: {  	[smem:$0x3FAB] =	sst s9;
	s0 =	simm.s32 @!p0 $0x0  }
0x12: {  	s1 =	sld [smem:$0x3F91];
	s0 =	simm.s32 @p0 $0x1  }
0x13: {  	[smem:$0x3FAC] =	sst s0;
	s0 =	simm.s32 @!p1 $0x0  }
0x14: {  	s2 =	sld [smem:$0x3F90];
	s0 =	simm.s32 @p1 $0x1  }
0x15: {  	[smem:$0x3FAD] =	sst s0;
	s0 =	simm.s32 @!p2 $0x0  }
0x16: {  	s3 =	sld [smem:$0x3FDB];
	s0 =	simm.s32 @p2 $0x1  }
0x17: {  	s4 =	simm.s32 $0x1BF5;
	[smem:$0x3FAF] =	sst s0  }
0x18: {  	s0 =	sld [smem:$0x3F92];
	_ =	swait.ge [sflag:s4], $0x0  }
0x19: {  	s7 =	sld [smem:$0x3F93]  }
0x1a: {  	s8 =	sadd.s32 $0xFFFFE003, lr  }
0x1b: {  	s9 =	sadd.s32 $0xFFFFFEF7, lr;
	s5 =	simm.s32 $0xFFFFFFFF;
	p2 =	slt.u32 s8, $0xFFFFF086  }
0x1c: {  	p1 =	slt.u32 s9, $0xF7A;
	s5 =	simm.s32 @!p2 $0x0  }
0x1d: {  	s5 =	simm.s32 @p1 $0x1;
	p0 =	seq.s32 s7, s2  }
0x1e: {  	s7 =	smul.u32 @!p0 $0xF7A, s2;
	p2 =	seq.s32 @!p0 s5, $0x0  }
0x1f: {  	s9 =	smul.u32 $0xF7A, s1;
	s8 =	simm.s32 @!p0 $0x1BF5;
	p2 =	por !p2, p0  }
0x20: {  	[sflag:s8] =	ssyncset.s32 @!p0 $0xFFFFF086;
	s6 =	sadd.s32 @!p0 s3, s7;
	s7 =	simm.s32 @!p0 $0x108  }
0x21: {  	s3 =	sadd.s32 s3, s9;
	s6 =	sadd.s32 @!p0 $0x88, s6;
	s7 =	simm.s32 @p2 $0x1082  }
0x22: {  	[simem:s7], [sflag:s8] =	dma.local @!p0 [hbm:s6], $0xF7A  }
0x23: {  	s9 =	sor.u32 $0xD0000000, s2;
	s6 =	simm.s32 $0x108;
	_ =	swait.ge @!p0 [sflag:s8], $0x0  }
0x24: {  	s3 =	sadd.s32 $0x88, s3;
	s6 =	simm.s32 @!p1 $0x1082;
	[sflag:s4] =	ssyncset.s32 $0xFFFFF086  }
0x25: {  	[simem:s6], [sflag:s4] =	dma.local [hbm:s3], $0xF7A  }
0x26: {  	[smem:$0x3F93] =	sst s1;
	(tag) =	ssettag s2;
	_ =	strace s9  }
0x27: {  	s1 =	sld [smem:$0x3FA3]  }
0x28: {  	s2 =	sld [smem:$0x3FA4]  }
0x29: {  	s4 =	sld [smem:$0x3FA6]  }
0x2a: {  	p0 =	seq.s32 s5, $0x0;
	s5 =	sld [smem:$0x3FA7]  }
0x2b: {  	s6 =	sld [smem:$0x3FA8]  }
0x2c: {  	s7 =	sld [smem:$0x3FA9]  }
0x2d: {  	s3 =	simm.s32 $0x108;
	s8 =	sld [smem:$0x3FAA]  }
0x2e: {  	s3 =	simm.s32 @!p0 $0x1082;
	s9 =	sld [smem:$0x3FAB]  }
0x2f: {  	lr =	sadd.s32 s0, s3;
	s0 =	sld [smem:$0x3FA2]  }
0x30: {  	s3 =	sld [smem:$0x3FA5]  }
0x31: {  	[smem:$0x3FAE] =	sst s10  }
0x32: {  	s10 =	sld [smem:$0x3FAC];
	_ =	sdelay $0x3  }
0x33: {  	p0 =	seq.s32 s10, $0x1;
	s10 =	sld [smem:$0x3FAE];
	_ =	sdelay $0x3  }
0x34: {  	[smem:$0x3FAE] =	sst s10  }
0x35: {  	s10 =	sld [smem:$0x3FAD];
	_ =	sdelay $0x3  }
0x36: {  	p1 =	seq.s32 s10, $0x1;
	s10 =	sld [smem:$0x3FAE];
	_ =	sdelay $0x3  }
0x37: {  	[smem:$0x3FAE] =	sst s10  }
0x38: {  	s10 =	sld [smem:$0x3FAF]  }
0x39: {  	_ = 	snop;
	(pc) =	sbr.ind lr, $3  }
0x3a: {  	_ = 	snop  }
0x3b: {  	_ = 	snop  }
0x3c: {  	p2 =	seq.s32 s10, $0x1;
	s10 =	sld [smem:$0x3FAE]  }
0x3d: {  	_ =	shalt  }
0x3e: {  	_ =	shalt  }
0x3f: {  	_ =	shalt  }
0x40: {  	_ =	shalt  }
0x41: {  	_ =	shalt  }
0x42: {  	_ =	shalt  }
0x43: {  	_ =	shalt  }
0x44: {  	_ =	shalt  }
0x45: {  	_ =	shalt  }
0x46: {  	_ =	shalt  }
0x47: {  	_ =	shalt  }
0x48: {  	_ =	shalt  }
0x49: {  	_ =	shalt  }
0x4a: {  	_ =	shalt  }
0x4b: {  	_ =	shalt  }
0x4c: {  	_ =	shalt  }
0x4d: {  	_ =	shalt  }
0x4e: {  	_ =	shalt  }
0x4f: {  	_ =	shalt  }
0x50: {  	_ =	shalt  }
0x51: {  	_ =	shalt  }
0x52: {  	_ =	shalt  }
0x53: {  	_ =	shalt  }
0x54: {  	_ =	shalt  }
0x55: {  	_ =	shalt  }
0x56: {  	_ =	shalt  }
0x57: {  	_ =	shalt  }
0x58: {  	_ =	shalt  }
0x59: {  	_ =	shalt  }
0x5a: {  	_ =	shalt  }
0x5b: {  	_ =	shalt  }
0x5c: {  	_ =	shalt  }
0x5d: {  	_ =	shalt  }
0x5e: {  	_ =	shalt  }
0x5f: {  	_ =	shalt  }
0x60: {  	_ =	shalt  }
0x61: {  	_ =	shalt  }
0x62: {  	_ =	shalt  }
0x63: {  	_ =	shalt  }
0x64: {  	_ =	shalt  }
0x65: {  	_ =	shalt  }
0x66: {  	_ =	shalt  }
0x67: {  	_ =	shalt  }
0x68: {  	_ =	shalt  }
0x69: {  	_ =	shalt  }
0x6a: {  	_ =	shalt  }
0x6b: {  	_ =	shalt  }
0x6c: {  	_ =	shalt  }
0x6d: {  	_ =	shalt  }
0x6e: {  	_ =	shalt  }
0x6f: {  	_ =	shalt  }
0x70: {  	_ =	shalt  }
0x71: {  	_ =	shalt  }
0x72: {  	_ =	shalt  }
0x73: {  	_ =	shalt  }
0x74: {  	_ =	shalt  }
0x75: {  	_ =	shalt  }
0x76: {  	_ =	shalt  }
0x77: {  	_ =	shalt  }
0x78: {  	_ =	shalt  }
0x79: {  	_ =	shalt  }
0x7a: {  	_ =	shalt  }
0x7b: {  	_ =	shalt  }
0x7c: {  	_ =	shalt  }
0x7d: {  	_ =	shalt  }
0x7e: {  	_ =	shalt  }
0x7f: {  	_ =	shalt  }
0x80: {  	_ =	shalt  }
0x81: {  	_ =	shalt  }
0x82: {  	_ =	shalt  }
0x83: {  	_ =	shalt  }
0x84: {  	_ =	shalt  }
0x85: {  	_ =	shalt  }
0x86: {  	_ =	shalt  }
0x87: {  	_ =	shalt  }
.Lfunc_end0:
.L_simem_size_0:
called_computation_lowered:
.L_overlay_start_0:
0x88: {  	s2 =	sld [smem:$0x3FD9]  }
0x89: {  	s3 =	sld [smem:$0x3FFE];
	_ =	sdelay $0x1  }
0x8a: {  	s1 =	srdreg.scid  }
0x8b: {  	s0 =	sand.u32 $0x1, s1  }
0x8c: {  	s16 =	sshll.u32 s0, $0xA;
	s2 =	sadd.s32 s3, s2  }
0x8d: {  	s2 =	sadd.s32 s2, s16  }
0x8e: {  	[smem:$0x3FBA] =	sst s2  }
0x8f: {  	_ = 	snop  }
0x90: {  	(tm) =	ssettm $0x1  }
0x91: {  	s17 =	sld [smem:$0x3FFB];
	_ =	sdelay $0x3  }
0x92: {  	_ =	strace s17  }
0x93: {  	s2 =	sld [smem:$0x3FFC];
	_ =	sdelay $0x3  }
0x94: {  	_ =	strace s2  }
0x95: {  	s2 =	sld [smem:$0x3FFD];
	_ =	sdelay $0x3  }
0x96: {  	_ =	strace s2  }
0x97: {  	_ =	strace $0x8FFFFFFF  }
0x98: {  	s18 =	sld [smem:$0x3FDB];
	_ =	sdelay $0x1  }
0x99: {  	s19 =	simm.s32 $_scs_section_size  }
0x9a: {  	s4 =	simm.s32 $_size__tile_overlayer_lowered;
	s5 =	simm.s32 $_tile_overlayer_lowered  }
0x9b: {  	s22 =	simm.s32 $0x1BFF;
	s21 =	sshll.u32 s5, $0x1;
	s2 =	sadd.s32 s19, s18  }
0x9c: {  	s6 =	simm.s32 $0x0;
	s20 =	sshll.u32 s4, $0x1;
	s4 =	sadd.s32 s21, s2  }
0x9d: {  	[timem:s6], [sflag:s22] =	dma.local [hbm:s4], s20  }
0x9e: {  	_ =	swait.ge [sflag:s22], s20  }
0x9f: {  	s3 =	ssub.s32 $0x0, s20;
	[sflag:s22] =	ssyncset.done $0x0  }
0xa0: {  	[sflag:s22] =	ssyncadd.s32 s3;
	_ =	sdelay $0x1  }
0xa1: {  	s23 =	simm.s32 $0x1B8B  }
0xa2: {  	_ =	swait.ge [sflag:s23], $0x1  }
0xa3: {  	[sflag:s23] =	ssyncset.done $0x0  }
0xa4: {  	s25 =	simm.s32 $0x1B8E;
	s24 =	sld [smem:$0x3FFE];
	[sflag:s23] =	ssyncadd.s32 $0xFFFFFFFF  }
0xa5: {  	s26 =	simm.s32 $execute0_lowered;
	[smem:$0x3FD2] =	sst s25  }
0xa6: {  	s4 =	sshll.u32 s26, $0x1;
	_ =	strace $0x80000046;
	[dreg:$0x1] =	wrdreg $0xFFFFFFFF  }
0xa7: {  	s28 =	simm.s32 $_size_execute0_lowered;
	s2 =	sadd.s32 s2, s4;
	[dreg:$0x0] =	wrdreg $0x0  }
0xa8: {  	s4 =	sshll.u32 s28, $0x1;
	[dreg:$0x2] =	wrdreg s2  }
0xa9: {  	[dreg:$0x3] =	wrdreg s4  }
0xaa: {  	[dreg:$0x4] =	wrdreg $0xC0  }
0xab: {  	_ =	task [dreg:s6], $0x5FFFF  }
0xac: {  	[dreg:$0x1] =	wrdreg $0xFFFFFFFF  }
0xad: {  	[dreg:$0x0] =	wrdreg $0x60  }
0xae: {  	[dreg:$0x2] =	wrdreg s24  }
0xaf: {  	[dreg:$0x3] =	wrdreg $0x0  }
0xb0: {  	[dreg:$0x4] =	wrdreg $0x9  }
0xb1: {  	_ =	task.clear_ibuf [dreg:s6], $0x5FFFF;
	_ =	strace $0x90000046  }
0xb2: {  	s29 =	simm.s32 $0x9;
	_ =	strace $0x80000048  }
0xb3: {  	_ =	swait.ge [sflag:s29], $0x1  }
0xb4: {  	[sflag:s29] =	ssyncadd.s32 $0xFFFFFFFF  }
0xb5: {  	_ =	strace $0x90000048  }
0xb6: {  	_ =	sfence  }
0xb7: {  	s30 =	sld [smem:$0x0];
	_ =	sdelay $0x2  }
0xb8: {  	s31 =	sshll.u32 s1, $0xD;
	s1 =	sshrl.u32 s1, $0x2  }
0xb9: {  	s3 =	sand.u32 $0x4000, s31;
	s1 =	sadd.s32 s1, s30  }
0xba: {  	s0 =	sor.u32 s3, s0;
	s1 =	sshll.u32 s1, $0x11  }
0xbb: {  	s0 =	sor.u32 s1, s0  }
0xbc: {  	s0 =	sadd.s32 $0x8F2B, s0  }
0xbd: {  	[sflag:s0] =	ssyncadd.remote.s32 $0x1  }
0xbe: {  	_ =	sfence.sel $0xFFFF  }
0xbf: {  	[dreg:$0x0] =	wrdreg $0xFFFFFFFF;
	(pc) =	sbr.abs _section_cstart, $3  }
0xc0: {  	[dreg:$0x1] =	wrdreg $0xFFFFFFFF  }
0xc1: {  	_ =	task.clear_ibuf [dreg:s6], $0x2FFFF;
	_ =	strace $0x9FFFFFFF  }
0xc2: {  	(tm) =	ssettm $0x7FFFFFFF  }
0xc3: {  	_ =	shalt  }
tec
execute0_lowered:
.L_overlay_start_1:
0x0: {  	(tag) =	ssettag $0x1  }
0x1: {  	s0 =	srdreg.scid  }
0x2: {  	s5 =	rddreg [dreg:$0x0];
	s14 =	stileid.u32  }
0x3: {  	s1 =	rddreg [dreg:$0x1];
	s2 =	simm.s32 $0x0;
	s17 =	simm.s32 $0x36B8  }
0x4: {  	s18 =	simm.s32 $0x2718;
	s19 =	simm.s32 $0x50;
	s6 =	smul.u32 $0x4E20, s14  }
0x5: {  	s4 =	sand.u32 $0x1, s0;
	s0 =	rddreg [dreg:$0x2];
	s28 =	smul.u32 $0x4E2, s14  }
0x6: {  	s20 =	simm.s32 $0x0;
	[smem:$0x7FF] =	sst s2;
	s9 =	smul.u32 $0x2710, s14  }
0x7: {  	s31 =	sshll.u32 s14, $0x6;
	s16 =	sadd.s32 $0x27100, s1;
	s3 =	smul.u32 $0x4E200, s4  }
0x8: {  	p0 =	sne.s32 s14, $0x0;
	_ =	strace $0x80000047;
	s7 =	smul.u32 $0x4E20, s4  }
0x9: {  	s8 =	ssub.s32 $0x2, s4;
	s4 =	sadd.s32 $0x1AA00, s5;
	s16 =	sshrl.u32 @!p0 s16, $0x3  }
0xa: {  	s29 =	sshrl.u32 s8, $0x1;
	s15 =	sadd.s32 s9, s1;
	s30 =	sshrl.u32 s9, $0x3  }
0xb: {  	s3 =	sadd.s32 s6, s3;
	s6 =	sadd.s32 s28, s7;
	s8 =	ssub.s32 s8, s29  }
0xc: {  	s14 =	sshrl.u32 s15, $0x3;
	s15 =	simm.s32 $0x1;
	s3 =	sshrl.u32 s3, $0x3  }
0xd: {  	s10 =	sadd.s32 s6, s5;
	s6 =	sor.u32 $0x1C01, s31;
	s8 =	smax.u32 s8, $0x1  }
0xe: {  	s13 =	sadd.s32 s3, s5;
	s3 =	sadd.s32 $0x1FA00, s5;
	s5 =	sadd.s32 s4, s30  }
0xf: {  	s7 =	sadd.s32 $0x1FC00, s10;
	s9 =	sadd.s32 $0x7000, s13;
	s10 =	sadd.s32 $0x71F4, s13  }
0x10: {  	s11 =	sadd.s32 $0x73E8, s13;
	s12 =	sadd.s32 $0x75DC, s13;
	s13 =	sadd.s32 $0x77D0, s13  }
.LBB2_1:
0x11: {  	[spmem:s14], [sflag:s6] =	dma.local [hbm:s5], $0x4E2  }
0x12: {  	_ =	swait.ge [sflag:s15], $0x4E2  }
0x13: {  	[sflag:s15] =	ssyncset.done $0x0  }
0x14: {  	s21 =	simm.s32 @!p0 $0x1;
	[sflag:s15] =	ssyncadd.s32 $0xFFFFFB1E  }
0x15: {  	[spmem:s16], [sflag:s6] =	dma.local @!p0 [hbm:s4], $0x10  }
0x16: {  	_ =	swait.ge @!p0 [sflag:s21], $0x10  }
0x17: {  	[sflag:s21] =	ssyncset.done @!p0 $0x0  }
0x18: {  	[sflag:s21] =	ssyncadd.s32 @!p0 $0xFFFFFFF0  }
0x19: {  	[tilespmem:s17], [sflag:$0x1] =	stream.linear.gather [hbm4b:s3+s2], $0x500, $0x38;
	[tilespmem:$0x3BB8] =	vst v63  }
0x1a: {  	_ =	swait.ge [sflag:s15], $0x500  }
0x1b: {  	[sflag:s15] =	ssyncset.done $0x0  }
0x1c: {  	[sflag:s15] =	ssyncadd.s32 $0xFFFFFB00  }
0x1d: {  	[bflag:$0x0] =	sbarrier.arrive $0xFFFF  }
0x1e: {  	[tilespmem:s18], [sflag:$0x1] =	stream.linear.gather [hbm4b:s9+s2], $0xFA0, $0x38;
	[tilespmem:$0x3BB8] =	vst v63  }
0x1f: {  	_ =	swait.ge [sflag:s15], $0xFA0  }
0x20: {  	[sflag:s15] =	ssyncset.done $0x0  }
0x21: {  	s31 =	simm.s32 $0x2718;
	[sflag:s15] =	ssyncadd.s32 $0xFFFFF060  }
0x22: {  	[spmem:s1] =	stream.indirect.scatter.add.f32 [tilespmem:s17], [sflag:$0x1], $0x10, s31, s19, $0xb8;
	[tilespmem:$0x3BB8] =	vst v63  }
0x23: {  	s21 =	simm.s32 $0x140;
	_ =	swait.ge [sflag:s15], $0x500  }
.LBB2_2:
0x24: {  	s22 =	sshra.s32 s21, $0x2;
	[sflag:s15] =	ssyncset.done $0x0;
	p1 =	sne.s32 s21, $0x3D40  }
.Ltmp0:
0x25: {  	s22 =	sadd.s32 $0x2718, s22;
	[sflag:s15] =	ssyncadd.s32 $0xFFFFFB00;
	(pc) =	sbr.rel @p1 .LBB2_2-.Ltmp0, $3  }
0x26: {  	[spmem:s1] =	stream.indirect.scatter.add.f32 [tilespmem:s17], [sflag:$0x1], $0x10, s22, s19, $0xb8;
	[tilespmem:$0x3BB8] =	vst v63  }
0x27: {  	s21 =	sadd.s32 $0x140, s21;
	_ =	sdelay $0x1  }
0x28: {  	_ =	swait.ge [sflag:s15], $0x500  }
0x29: {  	[sflag:s15] =	ssyncset.done $0x0  }
0x2a: {  	s21 =	simm.s32 $0x0;
	[sflag:s15] =	ssyncadd.s32 $0xFFFFFB00  }
0x2b: {  	[tilespmem:s18], [sflag:$0x1] =	stream.linear.gather [hbm4b:s10+s21], $0xFA0, $0x38;
	[tilespmem:$0x3BB8] =	vst v63  }
0x2c: {  	_ =	swait.ge [sflag:s15], $0xFA0  }
0x2d: {  	[sflag:s15] =	ssyncset.done $0x0  }
0x2e: {  	s31 =	simm.s32 $0x2718;
	[sflag:s15] =	ssyncadd.s32 $0xFFFFF060  }
0x2f: {  	[spmem:s1] =	stream.indirect.scatter.add.f32 [tilespmem:s17], [sflag:$0x1], $0x10, s31, s19, $0xb8;
	[tilespmem:$0x3BB8] =	vst v63  }
0x30: {  	s21 =	simm.s32 $0x140;
	_ =	swait.ge [sflag:s15], $0x500  }
.LBB2_4:
0x31: {  	s22 =	sshra.s32 s21, $0x2;
	[sflag:s15] =	ssyncset.done $0x0;
	p1 =	sne.s32 s21, $0x3D40  }
.Ltmp1:
0x32: {  	s22 =	sadd.s32 $0x2718, s22;
	[sflag:s15] =	ssyncadd.s32 $0xFFFFFB00;
	(pc) =	sbr.rel @p1 .LBB2_4-.Ltmp1, $3  }
0x33: {  	[spmem:s1] =	stream.indirect.scatter.add.f32 [tilespmem:s17], [sflag:$0x1], $0x10, s22, s19, $0xb8;
	[tilespmem:$0x3BB8] =	vst v63  }
0x34: {  	s21 =	sadd.s32 $0x140, s21;
	_ =	sdelay $0x1  }
0x35: {  	_ =	swait.ge [sflag:s15], $0x500  }
0x36: {  	[sflag:s15] =	ssyncset.done $0x0  }
0x37: {  	s21 =	simm.s32 $0x0;
	[sflag:s15] =	ssyncadd.s32 $0xFFFFFB00  }
0x38: {  	[tilespmem:s18], [sflag:$0x1] =	stream.linear.gather [hbm4b:s11+s21], $0xFA0, $0x38;
	[tilespmem:$0x3BB8] =	vst v63  }
0x39: {  	_ =	swait.ge [sflag:s15], $0xFA0  }
0x3a: {  	[sflag:s15] =	ssyncset.done $0x0  }
0x3b: {  	s31 =	simm.s32 $0x2718;
	[sflag:s15] =	ssyncadd.s32 $0xFFFFF060  }
0x3c: {  	[spmem:s1] =	stream.indirect.scatter.add.f32 [tilespmem:s17], [sflag:$0x1], $0x10, s31, s19, $0xb8;
	[tilespmem:$0x3BB8] =	vst v63  }
0x3d: {  	s21 =	simm.s32 $0x140;
	_ =	swait.ge [sflag:s15], $0x500  }
.LBB2_6:
0x3e: {  	s22 =	sshra.s32 s21, $0x2;
	[sflag:s15] =	ssyncset.done $0x0;
	p1 =	sne.s32 s21, $0x3D40  }
.Ltmp2:
0x3f: {  	s22 =	sadd.s32 $0x2718, s22;
	[sflag:s15] =	ssyncadd.s32 $0xFFFFFB00;
	(pc) =	sbr.rel @p1 .LBB2_6-.Ltmp2, $3  }
0x40: {  	[spmem:s1] =	stream.indirect.scatter.add.f32 [tilespmem:s17], [sflag:$0x1], $0x10, s22, s19, $0xb8;
	[tilespmem:$0x3BB8] =	vst v63  }
0x41: {  	s21 =	sadd.s32 $0x140, s21;
	_ =	sdelay $0x1  }
0x42: {  	_ =	swait.ge [sflag:s15], $0x500  }
0x43: {  	[sflag:s15] =	ssyncset.done $0x0  }
0x44: {  	s21 =	simm.s32 $0x0;
	[sflag:s15] =	ssyncadd.s32 $0xFFFFFB00  }
0x45: {  	[tilespmem:s18], [sflag:$0x1] =	stream.linear.gather [hbm4b:s12+s21], $0xFA0, $0x38;
	[tilespmem:$0x3BB8] =	vst v63  }
0x46: {  	_ =	swait.ge [sflag:s15], $0xFA0  }
0x47: {  	[sflag:s15] =	ssyncset.done $0x0  }
0x48: {  	s31 =	simm.s32 $0x2718;
	[sflag:s15] =	ssyncadd.s32 $0xFFFFF060  }
0x49: {  	[spmem:s1] =	stream.indirect.scatter.add.f32 [tilespmem:s17], [sflag:$0x1], $0x10, s31, s19, $0xb8;
	[tilespmem:$0x3BB8] =	vst v63  }
0x4a: {  	s21 =	simm.s32 $0x140;
	_ =	swait.ge [sflag:s15], $0x500  }
.LBB2_8:
0x4b: {  	s22 =	sshra.s32 s21, $0x2;
	[sflag:s15] =	ssyncset.done $0x0;
	p1 =	sne.s32 s21, $0x3D40  }
.Ltmp3:
0x4c: {  	s22 =	sadd.s32 $0x2718, s22;
	[sflag:s15] =	ssyncadd.s32 $0xFFFFFB00;
	(pc) =	sbr.rel @p1 .LBB2_8-.Ltmp3, $3  }
0x4d: {  	[spmem:s1] =	stream.indirect.scatter.add.f32 [tilespmem:s17], [sflag:$0x1], $0x10, s22, s19, $0xb8;
	[tilespmem:$0x3BB8] =	vst v63  }
0x4e: {  	s21 =	sadd.s32 $0x140, s21;
	_ =	sdelay $0x1  }
0x4f: {  	_ =	swait.ge [sflag:s15], $0x500  }
0x50: {  	[sflag:s15] =	ssyncset.done $0x0  }
0x51: {  	s21 =	simm.s32 $0x0;
	[sflag:s15] =	ssyncadd.s32 $0xFFFFFB00  }
0x52: {  	[tilespmem:s18], [sflag:$0x1] =	stream.linear.gather [hbm4b:s13+s21], $0xFA0, $0x38;
	[tilespmem:$0x3BB8] =	vst v63  }
0x53: {  	_ =	swait.ge [sflag:s15], $0xFA0  }
0x54: {  	[sflag:s15] =	ssyncset.done $0x0  }
0x55: {  	s31 =	simm.s32 $0x2718;
	[sflag:s15] =	ssyncadd.s32 $0xFFFFF060  }
0x56: {  	[spmem:s1] =	stream.indirect.scatter.add.f32 [tilespmem:s17], [sflag:$0x1], $0x10, s31, s19, $0xb8;
	[tilespmem:$0x3BB8] =	vst v63  }
0x57: {  	s21 =	simm.s32 $0x140;
	_ =	swait.ge [sflag:s15], $0x500  }
.LBB2_10:
0x58: {  	s22 =	sshra.s32 s21, $0x2;
	[sflag:s15] =	ssyncset.done $0x0;
	p1 =	sne.s32 s21, $0x3D40  }
.Ltmp4:
0x59: {  	s22 =	sadd.s32 $0x2718, s22;
	[sflag:s15] =	ssyncadd.s32 $0xFFFFFB00;
	(pc) =	sbr.rel @p1 .LBB2_10-.Ltmp4, $3  }
0x5a: {  	[spmem:s1] =	stream.indirect.scatter.add.f32 [tilespmem:s17], [sflag:$0x1], $0x10, s22, s19, $0xb8;
	[tilespmem:$0x3BB8] =	vst v63  }
0x5b: {  	s21 =	sadd.s32 $0x140, s21;
	_ =	sdelay $0x1  }
0x5c: {  	_ =	swait.ge [sflag:s15], $0x500  }
0x5d: {  	[sflag:s15] =	ssyncset.done $0x0;
	s20 =	sadd.s32 $0x1, s20  }
0x5e: {  	[sflag:s15] =	ssyncadd.s32 $0xFFFFFB00;
	p1 =	sne.s32 s20, s8  }
.Ltmp5:
0x5f: {  	[bflag:$0x0] =	sbarrier.arrive $0xFFFF;
	(pc) =	sbr.rel @p1 .LBB2_1-.Ltmp5, $4  }
0x60: {  	[hbm:s7], [sflag:s6] =	dma.local [spmem:s14], $0x4E2  }
0x61: {  	_ =	swait.ge [sflag:s15], $0x4E2  }
0x62: {  	[sflag:s15] =	ssyncset.done $0x0  }
0x63: {  	[sflag:s15] =	ssyncadd.s32 $0xFFFFFB1E  }
0x64: {  	_ =	sfence.sel $0x180000  }
0x65: {  	[bflag:$0x0] =	sbarrier.arrive $0xFFFF  }
0x66: {  	_ =	strace $0x90000047  }
0x67: {  	s0 =	sadd.s32 @!p0 $0x100000, s0;
	[bflag:$0x2] =	sbarrier.arrive $0xFFFF  }
0x68: {  	[sflag:s0] =	ssyncadd.tile.s32 @!p0 $0x1;
	_ =	shalt  }
.Lfunc_end2:
_tile_overlayer_lowered:
.L_overlay_start_2:
0x69: {  	(tag) =	ssettag $0x2  }
0x6a: {  	s0 =	rddreg [dreg:$0x0];
	s2 =	stileid.u32  }
0x6b: {  	s1 =	rddreg [dreg:$0x1];
	p0 =	sne.s32 s2, $0x0  }
0x6c: {  	s3 =	rddreg [dreg:$0x2];
	[bflag:$0x3] =	sbarrier.arrive $0xFFFF;
	s2 =	simm.s32 @!p0 $0x1C01  }
0x6d: {  	[timem:s3], [sflag:s2] =	dma.local @!p0 [hbm:s0], s1  }
0x6e: {  	s0 =	simm.s32 @!p0 $0x1  }
0x6f: {  	_ =	swait.ge @!p0 [sflag:s0], s1  }
0x70: {  	s1 =	ssub.s32 @!p0 $0x0, s1;
	[sflag:s0] =	ssyncset.done @!p0 $0x0  }
0x71: {  	[sflag:s0] =	ssyncadd.s32 @!p0 s1  }
0x72: {  	[bflag:$0x3] =	sbarrier.arrive $0xFFFF  }
0x73: {  	_ =	shalt  }

// kernel: kernel.15.cloned.1.call-start
scs
__scs_entry_jumppad:
0x0: {  	(pc) =	sbr.rel $0x88, $3  }
0x1: {  	(tag) =	ssettag $0x0;
	lr =	simm.s32 $0x1  }
0x2: {  	[smem:$0x3F93] =	sst lr;
	_ =	strace $0xD0000000  }
0x3: {  	_ = 	snop  }
0x4: {  	_ = 	snop  }
0x5: {  	_ = 	snop  }
0x6: {  	_ = 	snop  }
0x7: {  	_ = 	snop  }
__scs_overlays_trampoline_lowered:
0x8: {  	[smem:$0x3FA2] =	sst s0  }
0x9: {  	[smem:$0x3FA3] =	sst s1  }
0xa: {  	[smem:$0x3FA4] =	sst s2  }
0xb: {  	[smem:$0x3FA5] =	sst s3  }
0xc: {  	[smem:$0x3FA6] =	sst s4  }
0xd: {  	[smem:$0x3FA7] =	sst s5  }
0xe: {  	[smem:$0x3FA8] =	sst s6  }
0xf: {  	[smem:$0x3FA9] =	sst s7  }
0x10: {  	[smem:$0x3FAA] =	sst s8  }
0x11: {  	[smem:$0x3FAB] =	sst s9;
	s0 =	simm.s32 @!p0 $0x0  }
0x12: {  	s1 =	sld [smem:$0x3F91];
	s0 =	simm.s32 @p0 $0x1  }
0x13: {  	[smem:$0x3FAC] =	sst s0;
	s0 =	simm.s32 @!p1 $0x0  }
0x14: {  	s2 =	sld [smem:$0x3F90];
	s0 =	simm.s32 @p1 $0x1  }
0x15: {  	[smem:$0x3FAD] =	sst s0;
	s0 =	simm.s32 @!p2 $0x0  }
0x16: {  	s3 =	sld [smem:$0x3FDB];
	s0 =	simm.s32 @p2 $0x1  }
0x17: {  	s4 =	simm.s32 $0x1BF5;
	[smem:$0x3FAF] =	sst s0  }
0x18: {  	s0 =	sld [smem:$0x3F92];
	_ =	swait.ge [sflag:s4], $0x0  }
0x19: {  	s7 =	sld [smem:$0x3F93]  }
0x1a: {  	s8 =	sadd.s32 $0xFFFFE003, lr  }
0x1b: {  	s9 =	sadd.s32 $0xFFFFFEF7, lr;
	s5 =	simm.s32 $0xFFFFFFFF;
	p2 =	slt.u32 s8, $0xFFFFF086  }
0x1c: {  	p1 =	slt.u32 s9, $0xF7A;
	s5 =	simm.s32 @!p2 $0x0  }
0x1d: {  	s5 =	simm.s32 @p1 $0x1;
	p0 =	seq.s32 s7, s2  }
0x1e: {  	s7 =	smul.u32 @!p0 $0xF7A, s2;
	p2 =	seq.s32 @!p0 s5, $0x0  }
0x1f: {  	s9 =	smul.u32 $0xF7A, s1;
	s8 =	simm.s32 @!p0 $0x1BF5;
	p2 =	por !p2, p0  }
0x20: {  	[sflag:s8] =	ssyncset.s32 @!p0 $0xFFFFF086;
	s6 =	sadd.s32 @!p0 s3, s7;
	s7 =	simm.s32 @!p0 $0x108  }
0x21: {  	s3 =	sadd.s32 s3, s9;
	s6 =	sadd.s32 @!p0 $0x88, s6;
	s7 =	simm.s32 @p2 $0x1082  }
0x22: {  	[simem:s7], [sflag:s8] =	dma.local @!p0 [hbm:s6], $0xF7A  }
0x23: {  	s9 =	sor.u32 $0xD0000000, s2;
	s6 =	simm.s32 $0x108;
	_ =	swait.ge @!p0 [sflag:s8], $0x0  }
0x24: {  	s3 =	sadd.s32 $0x88, s3;
	s6 =	simm.s32 @!p1 $0x1082;
	[sflag:s4] =	ssyncset.s32 $0xFFFFF086  }
0x25: {  	[simem:s6], [sflag:s4] =	dma.local [hbm:s3], $0xF7A  }
0x26: {  	[smem:$0x3F93] =	sst s1;
	(tag) =	ssettag s2;
	_ =	strace s9  }
0x27: {  	s1 =	sld [smem:$0x3FA3]  }
0x28: {  	s2 =	sld [smem:$0x3FA4]  }
0x29: {  	s4 =	sld [smem:$0x3FA6]  }
0x2a: {  	p0 =	seq.s32 s5, $0x0;
	s5 =	sld [smem:$0x3FA7]  }
0x2b: {  	s6 =	sld [smem:$0x3FA8]  }
0x2c: {  	s7 =	sld [smem:$0x3FA9]  }
0x2d: {  	s3 =	simm.s32 $0x108;
	s8 =	sld [smem:$0x3FAA]  }
0x2e: {  	s3 =	simm.s32 @!p0 $0x1082;
	s9 =	sld [smem:$0x3FAB]  }
0x2f: {  	lr =	sadd.s32 s0, s3;
	s0 =	sld [smem:$0x3FA2]  }
0x30: {  	s3 =	sld [smem:$0x3FA5]  }
0x31: {  	[smem:$0x3FAE] =	sst s10  }
0x32: {  	s10 =	sld [smem:$0x3FAC];
	_ =	sdelay $0x3  }
0x33: {  	p0 =	seq.s32 s10, $0x1;
	s10 =	sld [smem:$0x3FAE];
	_ =	sdelay $0x3  }
0x34: {  	[smem:$0x3FAE] =	sst s10  }
0x35: {  	s10 =	sld [smem:$0x3FAD];
	_ =	sdelay $0x3  }
0x36: {  	p1 =	seq.s32 s10, $0x1;
	s10 =	sld [smem:$0x3FAE];
	_ =	sdelay $0x3  }
0x37: {  	[smem:$0x3FAE] =	sst s10  }
0x38: {  	s10 =	sld [smem:$0x3FAF]  }
0x39: {  	_ = 	snop;
	(pc) =	sbr.ind lr, $3  }
0x3a: {  	_ = 	snop  }
0x3b: {  	_ = 	snop  }
0x3c: {  	p2 =	seq.s32 s10, $0x1;
	s10 =	sld [smem:$0x3FAE]  }
0x3d: {  	_ =	shalt  }
0x3e: {  	_ =	shalt  }
0x3f: {  	_ =	shalt  }
0x40: {  	_ =	shalt  }
0x41: {  	_ =	shalt  }
0x42: {  	_ =	shalt  }
0x43: {  	_ =	shalt  }
0x44: {  	_ =	shalt  }
0x45: {  	_ =	shalt  }
0x46: {  	_ =	shalt  }
0x47: {  	_ =	shalt  }
0x48: {  	_ =	shalt  }
0x49: {  	_ =	shalt  }
0x4a: {  	_ =	shalt  }
0x4b: {  	_ =	shalt  }
0x4c: {  	_ =	shalt  }
0x4d: {  	_ =	shalt  }
0x4e: {  	_ =	shalt  }
0x4f: {  	_ =	shalt  }
0x50: {  	_ =	shalt  }
0x51: {  	_ =	shalt  }
0x52: {  	_ =	shalt  }
0x53: {  	_ =	shalt  }
0x54: {  	_ =	shalt  }
0x55: {  	_ =	shalt  }
0x56: {  	_ =	shalt  }
0x57: {  	_ =	shalt  }
0x58: {  	_ =	shalt  }
0x59: {  	_ =	shalt  }
0x5a: {  	_ =	shalt  }
0x5b: {  	_ =	shalt  }
0x5c: {  	_ =	shalt  }
0x5d: {  	_ =	shalt  }
0x5e: {  	_ =	shalt  }
0x5f: {  	_ =	shalt  }
0x60: {  	_ =	shalt  }
0x61: {  	_ =	shalt  }
0x62: {  	_ =	shalt  }
0x63: {  	_ =	shalt  }
0x64: {  	_ =	shalt  }
0x65: {  	_ =	shalt  }
0x66: {  	_ =	shalt  }
0x67: {  	_ =	shalt  }
0x68: {  	_ =	shalt  }
0x69: {  	_ =	shalt  }
0x6a: {  	_ =	shalt  }
0x6b: {  	_ =	shalt  }
0x6c: {  	_ =	shalt  }
0x6d: {  	_ =	shalt  }
0x6e: {  	_ =	shalt  }
0x6f: {  	_ =	shalt  }
0x70: {  	_ =	shalt  }
0x71: {  	_ =	shalt  }
0x72: {  	_ =	shalt  }
0x73: {  	_ =	shalt  }
0x74: {  	_ =	shalt  }
0x75: {  	_ =	shalt  }
0x76: {  	_ =	shalt  }
0x77: {  	_ =	shalt  }
0x78: {  	_ =	shalt  }
0x79: {  	_ =	shalt  }
0x7a: {  	_ =	shalt  }
0x7b: {  	_ =	shalt  }
0x7c: {  	_ =	shalt  }
0x7d: {  	_ =	shalt  }
0x7e: {  	_ =	shalt  }
0x7f: {  	_ =	shalt  }
0x80: {  	_ =	shalt  }
0x81: {  	_ =	shalt  }
0x82: {  	_ =	shalt  }
0x83: {  	_ =	shalt  }
0x84: {  	_ =	shalt  }
0x85: {  	_ =	shalt  }
0x86: {  	_ =	shalt  }
0x87: {  	_ =	shalt  }
.Lfunc_end0:
.L_simem_size_0:
called_computation.1_lowered:
.L_overlay_start_0:
0x88: {  	s2 =	sld [smem:$0x3FD9]  }
0x89: {  	s3 =	sld [smem:$0x3FFE];
	_ =	sdelay $0x1  }
0x8a: {  	s1 =	srdreg.scid  }
0x8b: {  	s0 =	sand.u32 $0x1, s1  }
0x8c: {  	s16 =	sshll.u32 s0, $0xA;
	s2 =	sadd.s32 s3, s2  }
0x8d: {  	s2 =	sadd.s32 s2, s16  }
0x8e: {  	[smem:$0x3FBA] =	sst s2  }
0x8f: {  	_ = 	snop  }
0x90: {  	(tm) =	ssettm $0x1  }
0x91: {  	s17 =	sld [smem:$0x3FFB];
	_ =	sdelay $0x3  }
0x92: {  	_ =	strace s17  }
0x93: {  	s2 =	sld [smem:$0x3FFC];
	_ =	sdelay $0x3  }
0x94: {  	_ =	strace s2  }
0x95: {  	s2 =	sld [smem:$0x3FFD];
	_ =	sdelay $0x3  }
0x96: {  	_ =	strace s2  }
0x97: {  	_ =	strace $0x8FFFFFFF  }
0x98: {  	s18 =	sld [smem:$0x3FDB];
	_ =	sdelay $0x1  }
0x99: {  	s19 =	simm.s32 $_scs_section_size  }
0x9a: {  	s4 =	simm.s32 $_size__tile_overlayer_lowered;
	s5 =	simm.s32 $_tile_overlayer_lowered  }
0x9b: {  	s22 =	simm.s32 $0x1BFF;
	s21 =	sshll.u32 s5, $0x1;
	s2 =	sadd.s32 s19, s18  }
0x9c: {  	s6 =	simm.s32 $0x0;
	s20 =	sshll.u32 s4, $0x1;
	s4 =	sadd.s32 s21, s2  }
0x9d: {  	[timem:s6], [sflag:s22] =	dma.local [hbm:s4], s20  }
0x9e: {  	_ =	swait.ge [sflag:s22], s20  }
0x9f: {  	s3 =	ssub.s32 $0x0, s20;
	[sflag:s22] =	ssyncset.done $0x0  }
0xa0: {  	[sflag:s22] =	ssyncadd.s32 s3;
	_ =	sdelay $0x1  }
0xa1: {  	s23 =	simm.s32 $0x1B8B  }
0xa2: {  	_ =	swait.ge [sflag:s23], $0x1  }
0xa3: {  	[sflag:s23] =	ssyncset.done $0x0  }
0xa4: {  	s25 =	simm.s32 $0x1B8E;
	s24 =	sld [smem:$0x3FFE];
	[sflag:s23] =	ssyncadd.s32 $0xFFFFFFFF  }
0xa5: {  	s26 =	simm.s32 $execute0_lowered;
	[smem:$0x3FD2] =	sst s25  }
0xa6: {  	s4 =	sshll.u32 s26, $0x1;
	_ =	strace $0x80000049;
	[dreg:$0x1] =	wrdreg $0xFFFFFFFF  }
0xa7: {  	s28 =	simm.s32 $_size_execute0_lowered;
	s2 =	sadd.s32 s2, s4;
	[dreg:$0x0] =	wrdreg $0x0  }
0xa8: {  	s4 =	sshll.u32 s28, $0x1;
	[dreg:$0x2] =	wrdreg s2  }
0xa9: {  	[dreg:$0x3] =	wrdreg s4  }
0xaa: {  	[dreg:$0x4] =	wrdreg $0xC0  }
0xab: {  	_ =	task [dreg:s6], $0x5FFFF  }
0xac: {  	[dreg:$0x1] =	wrdreg $0xFFFFFFFF  }
0xad: {  	[dreg:$0x0] =	wrdreg $0x60  }
0xae: {  	[dreg:$0x2] =	wrdreg s24  }
0xaf: {  	[dreg:$0x3] =	wrdreg $0x0  }
0xb0: {  	[dreg:$0x4] =	wrdreg $0x9  }
0xb1: {  	_ =	task.clear_ibuf [dreg:s6], $0x5FFFF;
	_ =	strace $0x90000049  }
0xb2: {  	s29 =	simm.s32 $0x9;
	_ =	strace $0x8000004B  }
0xb3: {  	_ =	swait.ge [sflag:s29], $0x1  }
0xb4: {  	[sflag:s29] =	ssyncadd.s32 $0xFFFFFFFF  }
0xb5: {  	_ =	strace $0x9000004B  }
0xb6: {  	_ =	sfence  }
0xb7: {  	s30 =	sld [smem:$0x0];
	_ =	sdelay $0x2  }
0xb8: {  	s31 =	sshll.u32 s1, $0xD;
	s1 =	sshrl.u32 s1, $0x2  }
0xb9: {  	s3 =	sand.u32 $0x4000, s31;
	s1 =	sadd.s32 s1, s30  }
0xba: {  	s0 =	sor.u32 s3, s0;
	s1 =	sshll.u32 s1, $0x11  }
0xbb: {  	s0 =	sor.u32 s1, s0  }
0xbc: {  	s0 =	sadd.s32 $0x8F2B, s0  }
0xbd: {  	[sflag:s0] =	ssyncadd.remote.s32 $0x1  }
0xbe: {  	_ =	sfence.sel $0xFFFF  }
0xbf: {  	[dreg:$0x0] =	wrdreg $0xFFFFFFFF;
	(pc) =	sbr.abs _section_cstart, $3  }
0xc0: {  	[dreg:$0x1] =	wrdreg $0xFFFFFFFF  }
0xc1: {  	_ =	task.clear_ibuf [dreg:s6], $0x2FFFF;
	_ =	strace $0x9FFFFFFF  }
0xc2: {  	(tm) =	ssettm $0x7FFFFFFF  }
0xc3: {  	_ =	shalt  }
tec
execute0_lowered:
.L_overlay_start_1:
0x0: {  	(tag) =	ssettag $0x1  }
0x1: {  	s7 =	rddreg [dreg:$0x0]  }
0x2: {  	s1 =	rddreg [dreg:$0x1]  }
0x3: {  	s2 =	simm.s32 $0x0;
	s3 =	srdreg.scid;
	s12 =	stileid.u32  }
0x4: {  	s17 =	simm.s32 $0x50;
	s18 =	simm.s32 $0x15800;
	s19 =	simm.s32 $0x1  }
0x5: {  	s20 =	simm.s32 $0x13910;
	s21 =	simm.s32 $0x18000;
	s22 =	simm.s32 $0x2  }
0x6: {  	s23 =	simm.s32 $0x148B0;
	s24 =	simm.s32 $0x3;
	[smem:$0x7FF] =	sst s2  }
0x7: {  	s8 =	sand.u32 $0x1, s3;
	s9 =	smul.u32 $0x2710, s12;
	s3 =	sadd.s32 $0x3D400, s7  }
0x8: {  	s4 =	sadd.s32 $0x29A00, s7;
	s5 =	sadd.s32 $0x7000, s7;
	s11 =	smul.u32 $0x13880, s12  }
0x9: {  	s6 =	sadd.s32 $0xD9800, s7;
	s30 =	smul.u32 $0x4E20, s12;
	s31 =	sshll.u32 s12, $0x6  }
0xa: {  	s16 =	sadd.s32 $0x138800, s1;
	p0 =	sne.s32 s12, $0x0;
	s10 =	smul.u32 $0x27100, s8  }
0xb: {  	_ =	strace $0x8000004A;
	s25 =	ssub.s32 $0x2, s8;
	s28 =	smul.u32 $0x4E200, s8  }
0xc: {  	s8 =	sor.u32 $0x1C05, s31;
	s26 =	sshrl.u32 s25, $0x1;
	s29 =	sshrl.u32 s11, $0x3  }
0xd: {  	s15 =	sadd.s32 s11, s1;
	s9 =	sadd.s32 s9, s10;
	s14 =	ssub.s32 s25, s26  }
0xe: {  	s12 =	sshrl.u32 s15, $0x3;
	s15 =	simm.s32 $0x138C0;
	s25 =	simm.s32 $0x13960  }
0xf: {  	s26 =	simm.s32 $0x4;
	s13 =	sadd.s32 s9, s7;
	s7 =	sadd.s32 s6, s29  }
0x10: {  	s9 =	sadd.s32 s30, s28;
	s11 =	smax.u32 s14, $0x1;
	s14 =	sshrl.u32 @!p0 s16, $0x3  }
0x11: {  	s16 =	simm.s32 $0x14860;
	s10 =	sadd.s32 $0x100A00, s13;
	s13 =	simm.s32 $0x5  }
.LBB2_1:
0x12: {  	[spmem:s12], [sflag:s8] =	dma.local [hbm:s7], $0x2710  }
0x13: {  	_ =	swait.ge [sflag:s13], $0x2710  }
0x14: {  	[sflag:s13] =	ssyncset.done $0x0  }
0x15: {  	s28 =	simm.s32 @!p0 $0x5;
	[sflag:s13] =	ssyncadd.s32 $0xFFFFD8F0  }
0x16: {  	[spmem:s14], [sflag:s8] =	dma.local @!p0 [hbm:s6], $0x80  }
0x17: {  	_ =	swait.ge @!p0 [sflag:s28], $0x80  }
0x18: {  	[sflag:s28] =	ssyncset.done @!p0 $0x0  }
0x19: {  	[sflag:s28] =	ssyncadd.s32 @!p0 $0xFFFFFF80  }
0x1a: {  	s28 =	simm.s32 $0x0;
	[bflag:$0x0] =	sbarrier.arrive $0xFFFF  }
.LBB2_2:
0x1b: {  	s29 =	smul.u32 $0xFA0, s28;
	_ =	sdelay $0x1  }
0x1c: {  	s29 =	sadd.s32 s29, s9  }
0x1d: {  	s30 =	sshrl.u32 s29, $0x3  }
0x1e: {  	s29 =	simm.s32 $0x0;
	s31 =	sadd.s32 s4, s30  }
0x1f: {  	[tilespmem:s15], [sflag:$0x5] =	stream.linear.gather [hbm4b:s31+s29], $0xFA0, $0x38;
	[tilespmem:$0x1A800] =	vst v63  }
0x20: {  	_ =	swait.ge [sflag:s13], $0xFA0  }
0x21: {  	[sflag:s13] =	ssyncset.done $0x0  }
0x22: {  	s30 =	sadd.s32 s5, s30;
	[sflag:s13] =	ssyncadd.s32 $0xFFFFF060  }
0x23: {  	[tilespmem:s16], [sflag:$0x5] =	stream.linear.gather [hbm4b:s30+s29], $0xFA0, $0x38;
	[tilespmem:$0x1A800] =	vst v63  }
0x24: {  	_ =	swait.ge [sflag:s13], $0xFA0  }
0x25: {  	[sflag:s13] =	ssyncset.done $0x0  }
0x26: {  	[sflag:s13] =	ssyncadd.s32 $0xFFFFF060  }
0x27: {  	[tilespmem:s18], [sflag:$0x1] =	stream.indirect.gather [hbm4b:s3+s17], $0x80, s15, s17, $0xb8;
	[tilespmem:$0x1A800] =	vst v63  }
0x28: {  	_ =	swait.ge [sflag:s19], $0x2800  }
0x29: {  	[sflag:s19] =	ssyncset.done $0x0  }
0x2a: {  	[sflag:s19] =	ssyncadd.s32 $0xFFFFD800  }
0x2b: {  	[spmem:s1] =	stream.indirect.scatter.add.f32 [tilespmem:s18], [sflag:$0x3], $0x80, s16, s17, $0xb8;
	[tilespmem:$0x1A800] =	vst v63  }
0x2c: {  	_ = 	snop  }
0x2d: {  	[tilespmem:s21], [sflag:$0x2] =	stream.indirect.gather [hbm4b:s3+s17], $0x80, s20, s17, $0xb8;
	[tilespmem:$0x1A800] =	vst v63  }
0x2e: {  	_ =	swait.ge [sflag:s22], $0x2800  }
0x2f: {  	[sflag:s22] =	ssyncset.done $0x0  }
0x30: {  	[sflag:s22] =	ssyncadd.s32 $0xFFFFD800  }
0x31: {  	[spmem:s1] =	stream.indirect.scatter.add.f32 [tilespmem:s21], [sflag:$0x4], $0x80, s23, s17, $0xb8;
	[tilespmem:$0x1A800] =	vst v63  }
0x32: {  	_ =	swait.ge [sflag:s24], $0x2800  }
0x33: {  	[sflag:s24] =	ssyncset.done $0x0  }
0x34: {  	[sflag:s24] =	ssyncadd.s32 $0xFFFFD800  }
0x35: {  	[tilespmem:s18], [sflag:$0x1] =	stream.indirect.gather [hbm4b:s3+s17], $0x80, s25, s17, $0xb8;
	[tilespmem:$0x1A800] =	vst v63  }
.LBB2_3:
0x36: {  	_ =	swait.ge [sflag:s19], $0x2800  }
0x37: {  	s30 =	sshra.s32 s29, $0x2;
	[sflag:s19] =	ssyncset.done $0x0  }
0x38: {  	s31 =	sadd.s32 $0x14900, s30;
	[sflag:s19] =	ssyncadd.s32 $0xFFFFD800  }
0x39: {  	[spmem:s1] =	stream.indirect.scatter.add.f32 [tilespmem:s18], [sflag:$0x3], $0x80, s31, s17, $0xb8;
	[tilespmem:$0x1A800] =	vst v63  }
0x3a: {  	_ =	swait.ge [sflag:s26], $0x2800  }
0x3b: {  	[sflag:s26] =	ssyncset.done $0x0  }
0x3c: {  	s0 =	sadd.s32 $0x139B0, s30;
	[sflag:s26] =	ssyncadd.s32 $0xFFFFD800  }
0x3d: {  	[tilespmem:s21], [sflag:$0x2] =	stream.indirect.gather [hbm4b:s3+s17], $0x80, s0, s17, $0xb8;
	[tilespmem:$0x1A800] =	vst v63  }
0x3e: {  	_ =	swait.ge [sflag:s22], $0x2800  }
0x3f: {  	[sflag:s22] =	ssyncset.done $0x0  }
0x40: {  	p1 =	seq.s32 s29, $0x3980;
	s30 =	sadd.s32 $0x14950, s30;
	[sflag:s22] =	ssyncadd.s32 $0xFFFFD800  }
0x41: {  	[spmem:s1] =	stream.indirect.scatter.add.f32 [tilespmem:s21], [sflag:$0x4], $0x80, s30, s17, $0xb8;
	[tilespmem:$0x1A800] =	vst v63  }
0x42: {  	s31 =	simm.s32 @!p1 $0x50;
	s0 =	simm.s32 @!p1 $0x15800;
	_ =	swait.ge [sflag:s24], $0x2800  }
0x43: {  	s30 =	sshra.s32 @!p1 s29, $0x2;
	s29 =	sadd.s32 @!p1 $0x280, s29;
	[sflag:s24] =	ssyncset.done $0x0  }
0x44: {  	s30 =	sadd.s32 @!p1 $0x13A00, s30;
	p2 =	sne.s32 @!p1 s29, $0x3C00;
	[sflag:s24] =	ssyncadd.s32 $0xFFFFD800  }
0x45: {  	[tilespmem:s0], [sflag:$0x1] =	stream.indirect.gather @!p1 [hbm4b:s3+s31], $0x80, s30, s31, $0xb8;
	[tilespmem:$0x1A800] =	vst v63  }
0x46: {  	p1 =	por p1, !p2  }
.Ltmp0:
0x47: {  	_ = 	snop;
	(pc) =	sbr.rel @!p1 .LBB2_3-.Ltmp0, $1  }
0x48: {  	_ =	sdelay $0x3  }
0x49: {  	s28 =	sadd.s32 $0x1, s28  }
0x4a: {  	p1 =	sne.s32 s28, $0x5  }
.Ltmp1:
0x4b: {  	_ = 	snop;
	(pc) =	sbr.rel @p1 .LBB2_2-.Ltmp1, $4  }
0x4c: {  	_ = 	snop  }
0x4d: {  	_ =	swait.ge [sflag:s26], $0x2800  }
0x4e: {  	[sflag:s26] =	ssyncset.done $0x0  }
0x4f: {  	[sflag:s26] =	ssyncadd.s32 $0xFFFFD800  }
0x50: {  	s2 =	sadd.s32 $0x1, s2  }
0x51: {  	p1 =	sne.s32 s2, s11  }
.Ltmp2:
0x52: {  	[bflag:$0x0] =	sbarrier.arrive $0xFFFF;
	(pc) =	sbr.rel @p1 .LBB2_1-.Ltmp2, $4  }
0x53: {  	[hbm:s10], [sflag:s8] =	dma.local [spmem:s12], $0x2710  }
0x54: {  	_ =	swait.ge [sflag:s13], $0x2710  }
0x55: {  	[sflag:s13] =	ssyncset.done $0x0  }
0x56: {  	[sflag:s13] =	ssyncadd.s32 $0xFFFFD8F0  }
0x57: {  	_ =	sfence.sel $0x180000  }
0x58: {  	[bflag:$0x0] =	sbarrier.arrive $0xFFFF  }
0x59: {  	_ =	strace $0x9000004A  }
0x5a: {  	[bflag:$0x2] =	sbarrier.arrive $0xFFFF  }
0x5b: {  	s0 =	rddreg [dreg:$0x2]  }
0x5c: {  	s0 =	sadd.s32 @!p0 $0x100000, s0  }
0x5d: {  	[sflag:s0] =	ssyncadd.tile.s32 @!p0 $0x1;
	_ =	shalt  }
.Lfunc_end2:
_tile_overlayer_lowered:
.L_overlay_start_2:
0x5e: {  	(tag) =	ssettag $0x2  }
0x5f: {  	s0 =	rddreg [dreg:$0x0];
	s2 =	stileid.u32  }
0x60: {  	s1 =	rddreg [dreg:$0x1];
	p0 =	sne.s32 s2, $0x0  }
0x61: {  	s3 =	rddreg [dreg:$0x2];
	[bflag:$0x3] =	sbarrier.arrive $0xFFFF;
	s2 =	simm.s32 @!p0 $0x1C05  }
0x62: {  	[timem:s3], [sflag:s2] =	dma.local @!p0 [hbm:s0], s1  }
0x63: {  	s0 =	simm.s32 @!p0 $0x5  }
0x64: {  	_ =	swait.ge @!p0 [sflag:s0], s1  }
0x65: {  	s1 =	ssub.s32 @!p0 $0x0, s1;
	[sflag:s0] =	ssyncset.done @!p0 $0x0  }
0x66: {  	[sflag:s0] =	ssyncadd.s32 @!p0 s1  }
0x67: {  	[bflag:$0x3] =	sbarrier.arrive $0xFFFF  }
0x68: {  	_ =	shalt  }

// kernel: kernel.18.cloned.1.call-start
scs
__scs_entry_jumppad:
0x0: {  	(pc) =	sbr.rel $0x88, $3  }
0x1: {  	(tag) =	ssettag $0x0;
	lr =	simm.s32 $0x1  }
0x2: {  	[smem:$0x3F93] =	sst lr;
	_ =	strace $0xD0000000  }
0x3: {  	_ = 	snop  }
0x4: {  	_ = 	snop  }
0x5: {  	_ = 	snop  }
0x6: {  	_ = 	snop  }
0x7: {  	_ = 	snop  }
__scs_overlays_trampoline_lowered:
0x8: {  	[smem:$0x3FA2] =	sst s0  }
0x9: {  	[smem:$0x3FA3] =	sst s1  }
0xa: {  	[smem:$0x3FA4] =	sst s2  }
0xb: {  	[smem:$0x3FA5] =	sst s3  }
0xc: {  	[smem:$0x3FA6] =	sst s4  }
0xd: {  	[smem:$0x3FA7] =	sst s5  }
0xe: {  	[smem:$0x3FA8] =	sst s6  }
0xf: {  	[smem:$0x3FA9] =	sst s7  }
0x10: {  	[smem:$0x3FAA] =	sst s8  }
0x11: {  	[smem:$0x3FAB] =	sst s9;
	s0 =	simm.s32 @!p0 $0x0  }
0x12: {  	s1 =	sld [smem:$0x3F91];
	s0 =	simm.s32 @p0 $0x1  }
0x13: {  	[smem:$0x3FAC] =	sst s0;
	s0 =	simm.s32 @!p1 $0x0  }
0x14: {  	s2 =	sld [smem:$0x3F90];
	s0 =	simm.s32 @p1 $0x1  }
0x15: {  	[smem:$0x3FAD] =	sst s0;
	s0 =	simm.s32 @!p2 $0x0  }
0x16: {  	s3 =	sld [smem:$0x3FDB];
	s0 =	simm.s32 @p2 $0x1  }
0x17: {  	s4 =	simm.s32 $0x1BF5;
	[smem:$0x3FAF] =	sst s0  }
0x18: {  	s0 =	sld [smem:$0x3F92];
	_ =	swait.ge [sflag:s4], $0x0  }
0x19: {  	s7 =	sld [smem:$0x3F93]  }
0x1a: {  	s8 =	sadd.s32 $0xFFFFE003, lr  }
0x1b: {  	s9 =	sadd.s32 $0xFFFFFEF7, lr;
	s5 =	simm.s32 $0xFFFFFFFF;
	p2 =	slt.u32 s8, $0xFFFFF086  }
0x1c: {  	p1 =	slt.u32 s9, $0xF7A;
	s5 =	simm.s32 @!p2 $0x0  }
0x1d: {  	s5 =	simm.s32 @p1 $0x1;
	p0 =	seq.s32 s7, s2  }
0x1e: {  	s7 =	smul.u32 @!p0 $0xF7A, s2;
	p2 =	seq.s32 @!p0 s5, $0x0  }
0x1f: {  	s9 =	smul.u32 $0xF7A, s1;
	s8 =	simm.s32 @!p0 $0x1BF5;
	p2 =	por !p2, p0  }
0x20: {  	[sflag:s8] =	ssyncset.s32 @!p0 $0xFFFFF086;
	s6 =	sadd.s32 @!p0 s3, s7;
	s7 =	simm.s32 @!p0 $0x108  }
0x21: {  	s3 =	sadd.s32 s3, s9;
	s6 =	sadd.s32 @!p0 $0x88, s6;
	s7 =	simm.s32 @p2 $0x1082  }
0x22: {  	[simem:s7], [sflag:s8] =	dma.local @!p0 [hbm:s6], $0xF7A  }
0x23: {  	s9 =	sor.u32 $0xD0000000, s2;
	s6 =	simm.s32 $0x108;
	_ =	swait.ge @!p0 [sflag:s8], $0x0  }
0x24: {  	s3 =	sadd.s32 $0x88, s3;
	s6 =	simm.s32 @!p1 $0x1082;
	[sflag:s4] =	ssyncset.s32 $0xFFFFF086  }
0x25: {  	[simem:s6], [sflag:s4] =	dma.local [hbm:s3], $0xF7A  }
0x26: {  	[smem:$0x3F93] =	sst s1;
	(tag) =	ssettag s2;
	_ =	strace s9  }
0x27: {  	s1 =	sld [smem:$0x3FA3]  }
0x28: {  	s2 =	sld [smem:$0x3FA4]  }
0x29: {  	s4 =	sld [smem:$0x3FA6]  }
0x2a: {  	p0 =	seq.s32 s5, $0x0;
	s5 =	sld [smem:$0x3FA7]  }
0x2b: {  	s6 =	sld [smem:$0x3FA8]  }
0x2c: {  	s7 =	sld [smem:$0x3FA9]  }
0x2d: {  	s3 =	simm.s32 $0x108;
	s8 =	sld [smem:$0x3FAA]  }
0x2e: {  	s3 =	simm.s32 @!p0 $0x1082;
	s9 =	sld [smem:$0x3FAB]  }
0x2f: {  	lr =	sadd.s32 s0, s3;
	s0 =	sld [smem:$0x3FA2]  }
0x30: {  	s3 =	sld [smem:$0x3FA5]  }
0x31: {  	[smem:$0x3FAE] =	sst s10  }
0x32: {  	s10 =	sld [smem:$0x3FAC];
	_ =	sdelay $0x3  }
0x33: {  	p0 =	seq.s32 s10, $0x1;
	s10 =	sld [smem:$0x3FAE];
	_ =	sdelay $0x3  }
0x34: {  	[smem:$0x3FAE] =	sst s10  }
0x35: {  	s10 =	sld [smem:$0x3FAD];
	_ =	sdelay $0x3  }
0x36: {  	p1 =	seq.s32 s10, $0x1;
	s10 =	sld [smem:$0x3FAE];
	_ =	sdelay $0x3  }
0x37: {  	[smem:$0x3FAE] =	sst s10  }
0x38: {  	s10 =	sld [smem:$0x3FAF]  }
0x39: {  	_ = 	snop;
	(pc) =	sbr.ind lr, $3  }
0x3a: {  	_ = 	snop  }
0x3b: {  	_ = 	snop  }
0x3c: {  	p2 =	seq.s32 s10, $0x1;
	s10 =	sld [smem:$0x3FAE]  }
0x3d: {  	_ =	shalt  }
0x3e: {  	_ =	shalt  }
0x3f: {  	_ =	shalt  }
0x40: {  	_ =	shalt  }
0x41: {  	_ =	shalt  }
0x42: {  	_ =	shalt  }
0x43: {  	_ =	shalt  }
0x44: {  	_ =	shalt  }
0x45: {  	_ =	shalt  }
0x46: {  	_ =	shalt  }
0x47: {  	_ =	shalt  }
0x48: {  	_ =	shalt  }
0x49: {  	_ =	shalt  }
0x4a: {  	_ =	shalt  }
0x4b: {  	_ =	shalt  }
0x4c: {  	_ =	shalt  }
0x4d: {  	_ =	shalt  }
0x4e: {  	_ =	shalt  }
0x4f: {  	_ =	shalt  }
0x50: {  	_ =	shalt  }
0x51: {  	_ =	shalt  }
0x52: {  	_ =	shalt  }
0x53: {  	_ =	shalt  }
0x54: {  	_ =	shalt  }
0x55: {  	_ =	shalt  }
0x56: {  	_ =	shalt  }
0x57: {  	_ =	shalt  }
0x58: {  	_ =	shalt  }
0x59: {  	_ =	shalt  }
0x5a: {  	_ =	shalt  }
0x5b: {  	_ =	shalt  }
0x5c: {  	_ =	shalt  }
0x5d: {  	_ =	shalt  }
0x5e: {  	_ =	shalt  }
0x5f: {  	_ =	shalt  }
0x60: {  	_ =	shalt  }
0x61: {  	_ =	shalt  }
0x62: {  	_ =	shalt  }
0x63: {  	_ =	shalt  }
0x64: {  	_ =	shalt  }
0x65: {  	_ =	shalt  }
0x66: {  	_ =	shalt  }
0x67: {  	_ =	shalt  }
0x68: {  	_ =	shalt  }
0x69: {  	_ =	shalt  }
0x6a: {  	_ =	shalt  }
0x6b: {  	_ =	shalt  }
0x6c: {  	_ =	shalt  }
0x6d: {  	_ =	shalt  }
0x6e: {  	_ =	shalt  }
0x6f: {  	_ =	shalt  }
0x70: {  	_ =	shalt  }
0x71: {  	_ =	shalt  }
0x72: {  	_ =	shalt  }
0x73: {  	_ =	shalt  }
0x74: {  	_ =	shalt  }
0x75: {  	_ =	shalt  }
0x76: {  	_ =	shalt  }
0x77: {  	_ =	shalt  }
0x78: {  	_ =	shalt  }
0x79: {  	_ =	shalt  }
0x7a: {  	_ =	shalt  }
0x7b: {  	_ =	shalt  }
0x7c: {  	_ =	shalt  }
0x7d: {  	_ =	shalt  }
0x7e: {  	_ =	shalt  }
0x7f: {  	_ =	shalt  }
0x80: {  	_ =	shalt  }
0x81: {  	_ =	shalt  }
0x82: {  	_ =	shalt  }
0x83: {  	_ =	shalt  }
0x84: {  	_ =	shalt  }
0x85: {  	_ =	shalt  }
0x86: {  	_ =	shalt  }
0x87: {  	_ =	shalt  }
.Lfunc_end0:
.L_simem_size_0:
called_computation.2_lowered:
.L_overlay_start_0:
0x88: {  	s2 =	sld [smem:$0x3FD9]  }
0x89: {  	s3 =	sld [smem:$0x3FFE];
	_ =	sdelay $0x1  }
0x8a: {  	s1 =	srdreg.scid  }
0x8b: {  	s0 =	sand.u32 $0x1, s1  }
0x8c: {  	s16 =	sshll.u32 s0, $0xA;
	s2 =	sadd.s32 s3, s2  }
0x8d: {  	s2 =	sadd.s32 s2, s16  }
0x8e: {  	[smem:$0x3FBA] =	sst s2  }
0x8f: {  	_ = 	snop  }
0x90: {  	(tm) =	ssettm $0x1  }
0x91: {  	s17 =	sld [smem:$0x3FFB];
	_ =	sdelay $0x3  }
0x92: {  	_ =	strace s17  }
0x93: {  	s2 =	sld [smem:$0x3FFC];
	_ =	sdelay $0x3  }
0x94: {  	_ =	strace s2  }
0x95: {  	s2 =	sld [smem:$0x3FFD];
	_ =	sdelay $0x3  }
0x96: {  	_ =	strace s2  }
0x97: {  	_ =	strace $0x8FFFFFFF  }
0x98: {  	s18 =	sld [smem:$0x3FDB];
	_ =	sdelay $0x1  }
0x99: {  	s19 =	simm.s32 $_scs_section_size  }
0x9a: {  	s4 =	simm.s32 $_size__tile_overlayer_lowered;
	s5 =	simm.s32 $_tile_overlayer_lowered  }
0x9b: {  	s22 =	simm.s32 $0x1BFF;
	s21 =	sshll.u32 s5, $0x1;
	s2 =	sadd.s32 s19, s18  }
0x9c: {  	s6 =	simm.s32 $0x0;
	s20 =	sshll.u32 s4, $0x1;
	s4 =	sadd.s32 s21, s2  }
0x9d: {  	[timem:s6], [sflag:s22] =	dma.local [hbm:s4], s20  }
0x9e: {  	_ =	swait.ge [sflag:s22], s20  }
0x9f: {  	s3 =	ssub.s32 $0x0, s20;
	[sflag:s22] =	ssyncset.done $0x0  }
0xa0: {  	[sflag:s22] =	ssyncadd.s32 s3;
	_ =	sdelay $0x1  }
0xa1: {  	s23 =	simm.s32 $0x1B8B  }
0xa2: {  	_ =	swait.ge [sflag:s23], $0x1  }
0xa3: {  	[sflag:s23] =	ssyncset.done $0x0  }
0xa4: {  	s25 =	simm.s32 $0x1B8E;
	s24 =	sld [smem:$0x3FFE];
	[sflag:s23] =	ssyncadd.s32 $0xFFFFFFFF  }
0xa5: {  	s26 =	simm.s32 $execute0_lowered;
	[smem:$0x3FD2] =	sst s25  }
0xa6: {  	s4 =	sshll.u32 s26, $0x1;
	_ =	strace $0x8000004C;
	[dreg:$0x1] =	wrdreg $0xFFFFFFFF  }
0xa7: {  	s28 =	simm.s32 $_size_execute0_lowered;
	s2 =	sadd.s32 s2, s4;
	[dreg:$0x0] =	wrdreg $0x0  }
0xa8: {  	s4 =	sshll.u32 s28, $0x1;
	[dreg:$0x2] =	wrdreg s2  }
0xa9: {  	[dreg:$0x3] =	wrdreg s4  }
0xaa: {  	[dreg:$0x4] =	wrdreg $0xC0  }
0xab: {  	_ =	task [dreg:s6], $0x5FFFF  }
0xac: {  	[dreg:$0x1] =	wrdreg $0xFFFFFFFF  }
0xad: {  	[dreg:$0x0] =	wrdreg $0x60  }
0xae: {  	[dreg:$0x2] =	wrdreg s24  }
0xaf: {  	[dreg:$0x3] =	wrdreg $0x0  }
0xb0: {  	[dreg:$0x4] =	wrdreg $0x9  }
0xb1: {  	_ =	task.clear_ibuf [dreg:s6], $0x5FFFF;
	_ =	strace $0x9000004C  }
0xb2: {  	s29 =	simm.s32 $0x9;
	_ =	strace $0x8000004E  }
0xb3: {  	_ =	swait.ge [sflag:s29], $0x1  }
0xb4: {  	[sflag:s29] =	ssyncadd.s32 $0xFFFFFFFF  }
0xb5: {  	_ =	strace $0x9000004E  }
0xb6: {  	_ =	sfence  }
0xb7: {  	s30 =	sld [smem:$0x0];
	_ =	sdelay $0x2  }
0xb8: {  	s31 =	sshll.u32 s1, $0xD;
	s1 =	sshrl.u32 s1, $0x2  }
0xb9: {  	s3 =	sand.u32 $0x4000, s31;
	s1 =	sadd.s32 s1, s30  }
0xba: {  	s0 =	sor.u32 s3, s0;
	s1 =	sshll.u32 s1, $0x11  }
0xbb: {  	s0 =	sor.u32 s1, s0  }
0xbc: {  	s0 =	sadd.s32 $0x8F2B, s0  }
0xbd: {  	[sflag:s0] =	ssyncadd.remote.s32 $0x1  }
0xbe: {  	_ =	sfence.sel $0xFFFF  }
0xbf: {  	[dreg:$0x0] =	wrdreg $0xFFFFFFFF;
	(pc) =	sbr.abs _section_cstart, $3  }
0xc0: {  	[dreg:$0x1] =	wrdreg $0xFFFFFFFF  }
0xc1: {  	_ =	task.clear_ibuf [dreg:s6], $0x2FFFF;
	_ =	strace $0x9FFFFFFF  }
0xc2: {  	(tm) =	ssettm $0x7FFFFFFF  }
0xc3: {  	_ =	shalt  }
tec
execute0_lowered:
.L_overlay_start_1:
0x0: {  	(tag) =	ssettag $0x1  }
0x1: {  	s7 =	rddreg [dreg:$0x0]  }
0x2: {  	s1 =	rddreg [dreg:$0x1]  }
0x3: {  	s2 =	simm.s32 $0x0;
	s3 =	srdreg.scid;
	s12 =	stileid.u32  }
0x4: {  	s17 =	simm.s32 $0x50;
	s18 =	simm.s32 $0x15800;
	s19 =	simm.s32 $0x1  }
0x5: {  	s20 =	simm.s32 $0x13910;
	s21 =	simm.s32 $0x18000;
	s22 =	simm.s32 $0x2  }
0x6: {  	s23 =	simm.s32 $0x148B0;
	s24 =	simm.s32 $0x3;
	[smem:$0x7FF] =	sst s2  }
0x7: {  	s8 =	sand.u32 $0x1, s3;
	s9 =	smul.u32 $0x2710, s12;
	s3 =	sadd.s32 $0x3D400, s7  }
0x8: {  	s4 =	sadd.s32 $0x29A00, s7;
	s5 =	sadd.s32 $0x7000, s7;
	s11 =	smul.u32 $0x13880, s12  }
0x9: {  	s6 =	sadd.s32 $0xD9800, s7;
	s30 =	smul.u32 $0x4E20, s12;
	s31 =	sshll.u32 s12, $0x6  }
0xa: {  	s16 =	sadd.s32 $0x138800, s1;
	p0 =	sne.s32 s12, $0x0;
	s10 =	smul.u32 $0x27100, s8  }
0xb: {  	_ =	strace $0x8000004D;
	s25 =	ssub.s32 $0x2, s8;
	s28 =	smul.u32 $0x4E200, s8  }
0xc: {  	s8 =	sor.u32 $0x1C05, s31;
	s26 =	sshrl.u32 s25, $0x1;
	s29 =	sshrl.u32 s11, $0x3  }
0xd: {  	s15 =	sadd.s32 s11, s1;
	s9 =	sadd.s32 s9, s10;
	s14 =	ssub.s32 s25, s26  }
0xe: {  	s12 =	sshrl.u32 s15, $0x3;
	s15 =	simm.s32 $0x138C0;
	s25 =	simm.s32 $0x13960  }
0xf: {  	s26 =	simm.s32 $0x4;
	s13 =	sadd.s32 s9, s7;
	s7 =	sadd.s32 s6, s29  }
0x10: {  	s9 =	sadd.s32 s30, s28;
	s11 =	smax.u32 s14, $0x1;
	s14 =	sshrl.u32 @!p0 s16, $0x3  }
0x11: {  	s16 =	simm.s32 $0x14860;
	s10 =	sadd.s32 $0x100A00, s13;
	s13 =	simm.s32 $0x5  }
.LBB2_1:
0x12: {  	[spmem:s12], [sflag:s8] =	dma.local [hbm:s7], $0x2710  }
0x13: {  	_ =	swait.ge [sflag:s13], $0x2710  }
0x14: {  	[sflag:s13] =	ssyncset.done $0x0  }
0x15: {  	s28 =	simm.s32 @!p0 $0x5;
	[sflag:s13] =	ssyncadd.s32 $0xFFFFD8F0  }
0x16: {  	[spmem:s14], [sflag:s8] =	dma.local @!p0 [hbm:s6], $0x80  }
0x17: {  	_ =	swait.ge @!p0 [sflag:s28], $0x80  }
0x18: {  	[sflag:s28] =	ssyncset.done @!p0 $0x0  }
0x19: {  	[sflag:s28] =	ssyncadd.s32 @!p0 $0xFFFFFF80  }
0x1a: {  	s28 =	simm.s32 $0x0;
	[bflag:$0x0] =	sbarrier.arrive $0xFFFF  }
.LBB2_2:
0x1b: {  	s29 =	smul.u32 $0xFA0, s28;
	_ =	sdelay $0x1  }
0x1c: {  	s29 =	sadd.s32 s29, s9  }
0x1d: {  	s30 =	sshrl.u32 s29, $0x3  }
0x1e: {  	s29 =	simm.s32 $0x0;
	s31 =	sadd.s32 s4, s30  }
0x1f: {  	[tilespmem:s15], [sflag:$0x5] =	stream.linear.gather [hbm4b:s31+s29], $0xFA0, $0x38;
	[tilespmem:$0x1A800] =	vst v63  }
0x20: {  	_ =	swait.ge [sflag:s13], $0xFA0  }
0x21: {  	[sflag:s13] =	ssyncset.done $0x0  }
0x22: {  	s30 =	sadd.s32 s5, s30;
	[sflag:s13] =	ssyncadd.s32 $0xFFFFF060  }
0x23: {  	[tilespmem:s16], [sflag:$0x5] =	stream.linear.gather [hbm4b:s30+s29], $0xFA0, $0x38;
	[tilespmem:$0x1A800] =	vst v63  }
0x24: {  	_ =	swait.ge [sflag:s13], $0xFA0  }
0x25: {  	[sflag:s13] =	ssyncset.done $0x0  }
0x26: {  	[sflag:s13] =	ssyncadd.s32 $0xFFFFF060  }
0x27: {  	[tilespmem:s18], [sflag:$0x1] =	stream.indirect.gather [hbm4b:s3+s17], $0x80, s15, s17, $0xb8;
	[tilespmem:$0x1A800] =	vst v63  }
0x28: {  	_ =	swait.ge [sflag:s19], $0x2800  }
0x29: {  	[sflag:s19] =	ssyncset.done $0x0  }
0x2a: {  	[sflag:s19] =	ssyncadd.s32 $0xFFFFD800  }
0x2b: {  	[spmem:s1] =	stream.indirect.scatter.add.f32 [tilespmem:s18], [sflag:$0x3], $0x80, s16, s17, $0xb8;
	[tilespmem:$0x1A800] =	vst v63  }
0x2c: {  	_ = 	snop  }
0x2d: {  	[tilespmem:s21], [sflag:$0x2] =	stream.indirect.gather [hbm4b:s3+s17], $0x80, s20, s17, $0xb8;
	[tilespmem:$0x1A800] =	vst v63  }
0x2e: {  	_ =	swait.ge [sflag:s22], $0x2800  }
0x2f: {  	[sflag:s22] =	ssyncset.done $0x0  }
0x30: {  	[sflag:s22] =	ssyncadd.s32 $0xFFFFD800  }
0x31: {  	[spmem:s1] =	stream.indirect.scatter.add.f32 [tilespmem:s21], [sflag:$0x4], $0x80, s23, s17, $0xb8;
	[tilespmem:$0x1A800] =	vst v63  }
0x32: {  	_ =	swait.ge [sflag:s24], $0x2800  }
0x33: {  	[sflag:s24] =	ssyncset.done $0x0  }
0x34: {  	[sflag:s24] =	ssyncadd.s32 $0xFFFFD800  }
0x35: {  	[tilespmem:s18], [sflag:$0x1] =	stream.indirect.gather [hbm4b:s3+s17], $0x80, s25, s17, $0xb8;
	[tilespmem:$0x1A800] =	vst v63  }
.LBB2_3:
0x36: {  	_ =	swait.ge [sflag:s19], $0x2800  }
0x37: {  	s30 =	sshra.s32 s29, $0x2;
	[sflag:s19] =	ssyncset.done $0x0  }
0x38: {  	s31 =	sadd.s32 $0x14900, s30;
	[sflag:s19] =	ssyncadd.s32 $0xFFFFD800  }
0x39: {  	[spmem:s1] =	stream.indirect.scatter.add.f32 [tilespmem:s18], [sflag:$0x3], $0x80, s31, s17, $0xb8;
	[tilespmem:$0x1A800] =	vst v63  }
0x3a: {  	_ =	swait.ge [sflag:s26], $0x2800  }
0x3b: {  	[sflag:s26] =	ssyncset.done $0x0  }
0x3c: {  	s0 =	sadd.s32 $0x139B0, s30;
	[sflag:s26] =	ssyncadd.s32 $0xFFFFD800  }
0x3d: {  	[tilespmem:s21], [sflag:$0x2] =	stream.indirect.gather [hbm4b:s3+s17], $0x80, s0, s17, $0xb8;
	[tilespmem:$0x1A800] =	vst v63  }
0x3e: {  	_ =	swait.ge [sflag:s22], $0x2800  }
0x3f: {  	[sflag:s22] =	ssyncset.done $0x0  }
0x40: {  	p1 =	seq.s32 s29, $0x3980;
	s30 =	sadd.s32 $0x14950, s30;
	[sflag:s22] =	ssyncadd.s32 $0xFFFFD800  }
0x41: {  	[spmem:s1] =	stream.indirect.scatter.add.f32 [tilespmem:s21], [sflag:$0x4], $0x80, s30, s17, $0xb8;
	[tilespmem:$0x1A800] =	vst v63  }
0x42: {  	s31 =	simm.s32 @!p1 $0x50;
	s0 =	simm.s32 @!p1 $0x15800;
	_ =	swait.ge [sflag:s24], $0x2800  }
0x43: {  	s30 =	sshra.s32 @!p1 s29, $0x2;
	s29 =	sadd.s32 @!p1 $0x280, s29;
	[sflag:s24] =	ssyncset.done $0x0  }
0x44: {  	s30 =	sadd.s32 @!p1 $0x13A00, s30;
	p2 =	sne.s32 @!p1 s29, $0x3C00;
	[sflag:s24] =	ssyncadd.s32 $0xFFFFD800  }
0x45: {  	[tilespmem:s0], [sflag:$0x1] =	stream.indirect.gather @!p1 [hbm4b:s3+s31], $0x80, s30, s31, $0xb8;
	[tilespmem:$0x1A800] =	vst v63  }
0x46: {  	p1 =	por p1, !p2  }
.Ltmp0:
0x47: {  	_ = 	snop;
	(pc) =	sbr.rel @!p1 .LBB2_3-.Ltmp0, $1  }
0x48: {  	_ =	sdelay $0x3  }
0x49: {  	s28 =	sadd.s32 $0x1, s28  }
0x4a: {  	p1 =	sne.s32 s28, $0x5  }
.Ltmp1:
0x4b: {  	_ = 	snop;
	(pc) =	sbr.rel @p1 .LBB2_2-.Ltmp1, $4  }
0x4c: {  	_ = 	snop  }
0x4d: {  	_ =	swait.ge [sflag:s26], $0x2800  }
0x4e: {  	[sflag:s26] =	ssyncset.done $0x0  }
0x4f: {  	[sflag:s26] =	ssyncadd.s32 $0xFFFFD800  }
0x50: {  	s2 =	sadd.s32 $0x1, s2  }
0x51: {  	p1 =	sne.s32 s2, s11  }
.Ltmp2:
0x52: {  	[bflag:$0x0] =	sbarrier.arrive $0xFFFF;
	(pc) =	sbr.rel @p1 .LBB2_1-.Ltmp2, $4  }
0x53: {  	[hbm:s10], [sflag:s8] =	dma.local [spmem:s12], $0x2710  }
0x54: {  	_ =	swait.ge [sflag:s13], $0x2710  }
0x55: {  	[sflag:s13] =	ssyncset.done $0x0  }
0x56: {  	[sflag:s13] =	ssyncadd.s32 $0xFFFFD8F0  }
0x57: {  	_ =	sfence.sel $0x180000  }
0x58: {  	[bflag:$0x0] =	sbarrier.arrive $0xFFFF  }
0x59: {  	_ =	strace $0x9000004D  }
0x5a: {  	[bflag:$0x2] =	sbarrier.arrive $0xFFFF  }
0x5b: {  	s0 =	rddreg [dreg:$0x2]  }
0x5c: {  	s0 =	sadd.s32 @!p0 $0x100000, s0  }
0x5d: {  	[sflag:s0] =	ssyncadd.tile.s32 @!p0 $0x1;
	_ =	shalt  }
.Lfunc_end2:
_tile_overlayer_lowered:
.L_overlay_start_2:
0x5e: {  	(tag) =	ssettag $0x2  }
0x5f: {  	s0 =	rddreg [dreg:$0x0];
	s2 =	stileid.u32  }
0x60: {  	s1 =	rddreg [dreg:$0x1];
	p0 =	sne.s32 s2, $0x0  }
0x61: {  	s3 =	rddreg [dreg:$0x2];
	[bflag:$0x3] =	sbarrier.arrive $0xFFFF;
	s2 =	simm.s32 @!p0 $0x1C05  }
0x62: {  	[timem:s3], [sflag:s2] =	dma.local @!p0 [hbm:s0], s1  }
0x63: {  	s0 =	simm.s32 @!p0 $0x5  }
0x64: {  	_ =	swait.ge @!p0 [sflag:s0], s1  }
0x65: {  	s1 =	ssub.s32 @!p0 $0x0, s1;
	[sflag:s0] =	ssyncset.done @!p0 $0x0  }
0x66: {  	[sflag:s0] =	ssyncadd.s32 @!p0 s1  }
0x67: {  	[bflag:$0x3] =	sbarrier.arrive $0xFFFF  }
0x68: {  	_ =	shalt  }

// kernel: kernel.21.cloned.1.call-start
scs
__scs_entry_jumppad:
0x0: {  	(pc) =	sbr.rel $0x88, $3  }
0x1: {  	(tag) =	ssettag $0x0;
	lr =	simm.s32 $0x1  }
0x2: {  	[smem:$0x3F93] =	sst lr;
	_ =	strace $0xD0000000  }
0x3: {  	_ = 	snop  }
0x4: {  	_ = 	snop  }
0x5: {  	_ = 	snop  }
0x6: {  	_ = 	snop  }
0x7: {  	_ = 	snop  }
__scs_overlays_trampoline_lowered:
0x8: {  	[smem:$0x3FA2] =	sst s0  }
0x9: {  	[smem:$0x3FA3] =	sst s1  }
0xa: {  	[smem:$0x3FA4] =	sst s2  }
0xb: {  	[smem:$0x3FA5] =	sst s3  }
0xc: {  	[smem:$0x3FA6] =	sst s4  }
0xd: {  	[smem:$0x3FA7] =	sst s5  }
0xe: {  	[smem:$0x3FA8] =	sst s6  }
0xf: {  	[smem:$0x3FA9] =	sst s7  }
0x10: {  	[smem:$0x3FAA] =	sst s8  }
0x11: {  	[smem:$0x3FAB] =	sst s9;
	s0 =	simm.s32 @!p0 $0x0  }
0x12: {  	s1 =	sld [smem:$0x3F91];
	s0 =	simm.s32 @p0 $0x1  }
0x13: {  	[smem:$0x3FAC] =	sst s0;
	s0 =	simm.s32 @!p1 $0x0  }
0x14: {  	s2 =	sld [smem:$0x3F90];
	s0 =	simm.s32 @p1 $0x1  }
0x15: {  	[smem:$0x3FAD] =	sst s0;
	s0 =	simm.s32 @!p2 $0x0  }
0x16: {  	s3 =	sld [smem:$0x3FDB];
	s0 =	simm.s32 @p2 $0x1  }
0x17: {  	s4 =	simm.s32 $0x1BF5;
	[smem:$0x3FAF] =	sst s0  }
0x18: {  	s0 =	sld [smem:$0x3F92];
	_ =	swait.ge [sflag:s4], $0x0  }
0x19: {  	s7 =	sld [smem:$0x3F93]  }
0x1a: {  	s8 =	sadd.s32 $0xFFFFE003, lr  }
0x1b: {  	s9 =	sadd.s32 $0xFFFFFEF7, lr;
	s5 =	simm.s32 $0xFFFFFFFF;
	p2 =	slt.u32 s8, $0xFFFFF086  }
0x1c: {  	p1 =	slt.u32 s9, $0xF7A;
	s5 =	simm.s32 @!p2 $0x0  }
0x1d: {  	s5 =	simm.s32 @p1 $0x1;
	p0 =	seq.s32 s7, s2  }
0x1e: {  	s7 =	smul.u32 @!p0 $0xF7A, s2;
	p2 =	seq.s32 @!p0 s5, $0x0  }
0x1f: {  	s9 =	smul.u32 $0xF7A, s1;
	s8 =	simm.s32 @!p0 $0x1BF5;
	p2 =	por !p2, p0  }
0x20: {  	[sflag:s8] =	ssyncset.s32 @!p0 $0xFFFFF086;
	s6 =	sadd.s32 @!p0 s3, s7;
	s7 =	simm.s32 @!p0 $0x108  }
0x21: {  	s3 =	sadd.s32 s3, s9;
	s6 =	sadd.s32 @!p0 $0x88, s6;
	s7 =	simm.s32 @p2 $0x1082  }
0x22: {  	[simem:s7], [sflag:s8] =	dma.local @!p0 [hbm:s6], $0xF7A  }
0x23: {  	s9 =	sor.u32 $0xD0000000, s2;
	s6 =	simm.s32 $0x108;
	_ =	swait.ge @!p0 [sflag:s8], $0x0  }
0x24: {  	s3 =	sadd.s32 $0x88, s3;
	s6 =	simm.s32 @!p1 $0x1082;
	[sflag:s4] =	ssyncset.s32 $0xFFFFF086  }
0x25: {  	[simem:s6], [sflag:s4] =	dma.local [hbm:s3], $0xF7A  }
0x26: {  	[smem:$0x3F93] =	sst s1;
	(tag) =	ssettag s2;
	_ =	strace s9  }
0x27: {  	s1 =	sld [smem:$0x3FA3]  }
0x28: {  	s2 =	sld [smem:$0x3FA4]  }
0x29: {  	s4 =	sld [smem:$0x3FA6]  }
0x2a: {  	p0 =	seq.s32 s5, $0x0;
	s5 =	sld [smem:$0x3FA7]  }
0x2b: {  	s6 =	sld [smem:$0x3FA8]  }
0x2c: {  	s7 =	sld [smem:$0x3FA9]  }
0x2d: {  	s3 =	simm.s32 $0x108;
	s8 =	sld [smem:$0x3FAA]  }
0x2e: {  	s3 =	simm.s32 @!p0 $0x1082;
	s9 =	sld [smem:$0x3FAB]  }
0x2f: {  	lr =	sadd.s32 s0, s3;
	s0 =	sld [smem:$0x3FA2]  }
0x30: {  	s3 =	sld [smem:$0x3FA5]  }
0x31: {  	[smem:$0x3FAE] =	sst s10  }
0x32: {  	s10 =	sld [smem:$0x3FAC];
	_ =	sdelay $0x3  }
0x33: {  	p0 =	seq.s32 s10, $0x1;
	s10 =	sld [smem:$0x3FAE];
	_ =	sdelay $0x3  }
0x34: {  	[smem:$0x3FAE] =	sst s10  }
0x35: {  	s10 =	sld [smem:$0x3FAD];
	_ =	sdelay $0x3  }
0x36: {  	p1 =	seq.s32 s10, $0x1;
	s10 =	sld [smem:$0x3FAE];
	_ =	sdelay $0x3  }
0x37: {  	[smem:$0x3FAE] =	sst s10  }
0x38: {  	s10 =	sld [smem:$0x3FAF]  }
0x39: {  	_ = 	snop;
	(pc) =	sbr.ind lr, $3  }
0x3a: {  	_ = 	snop  }
0x3b: {  	_ = 	snop  }
0x3c: {  	p2 =	seq.s32 s10, $0x1;
	s10 =	sld [smem:$0x3FAE]  }
0x3d: {  	_ =	shalt  }
0x3e: {  	_ =	shalt  }
0x3f: {  	_ =	shalt  }
0x40: {  	_ =	shalt  }
0x41: {  	_ =	shalt  }
0x42: {  	_ =	shalt  }
0x43: {  	_ =	shalt  }
0x44: {  	_ =	shalt  }
0x45: {  	_ =	shalt  }
0x46: {  	_ =	shalt  }
0x47: {  	_ =	shalt  }
0x48: {  	_ =	shalt  }
0x49: {  	_ =	shalt  }
0x4a: {  	_ =	shalt  }
0x4b: {  	_ =	shalt  }
0x4c: {  	_ =	shalt  }
0x4d: {  	_ =	shalt  }
0x4e: {  	_ =	shalt  }
0x4f: {  	_ =	shalt  }
0x50: {  	_ =	shalt  }
0x51: {  	_ =	shalt  }
0x52: {  	_ =	shalt  }
0x53: {  	_ =	shalt  }
0x54: {  	_ =	shalt  }
0x55: {  	_ =	shalt  }
0x56: {  	_ =	shalt  }
0x57: {  	_ =	shalt  }
0x58: {  	_ =	shalt  }
0x59: {  	_ =	shalt  }
0x5a: {  	_ =	shalt  }
0x5b: {  	_ =	shalt  }
0x5c: {  	_ =	shalt  }
0x5d: {  	_ =	shalt  }
0x5e: {  	_ =	shalt  }
0x5f: {  	_ =	shalt  }
0x60: {  	_ =	shalt  }
0x61: {  	_ =	shalt  }
0x62: {  	_ =	shalt  }
0x63: {  	_ =	shalt  }
0x64: {  	_ =	shalt  }
0x65: {  	_ =	shalt  }
0x66: {  	_ =	shalt  }
0x67: {  	_ =	shalt  }
0x68: {  	_ =	shalt  }
0x69: {  	_ =	shalt  }
0x6a: {  	_ =	shalt  }
0x6b: {  	_ =	shalt  }
0x6c: {  	_ =	shalt  }
0x6d: {  	_ =	shalt  }
0x6e: {  	_ =	shalt  }
0x6f: {  	_ =	shalt  }
0x70: {  	_ =	shalt  }
0x71: {  	_ =	shalt  }
0x72: {  	_ =	shalt  }
0x73: {  	_ =	shalt  }
0x74: {  	_ =	shalt  }
0x75: {  	_ =	shalt  }
0x76: {  	_ =	shalt  }
0x77: {  	_ =	shalt  }
0x78: {  	_ =	shalt  }
0x79: {  	_ =	shalt  }
0x7a: {  	_ =	shalt  }
0x7b: {  	_ =	shalt  }
0x7c: {  	_ =	shalt  }
0x7d: {  	_ =	shalt  }
0x7e: {  	_ =	shalt  }
0x7f: {  	_ =	shalt  }
0x80: {  	_ =	shalt  }
0x81: {  	_ =	shalt  }
0x82: {  	_ =	shalt  }
0x83: {  	_ =	shalt  }
0x84: {  	_ =	shalt  }
0x85: {  	_ =	shalt  }
0x86: {  	_ =	shalt  }
0x87: {  	_ =	shalt  }
.Lfunc_end0:
.L_simem_size_0:
called_computation.3_lowered:
.L_overlay_start_0:
0x88: {  	s2 =	sld [smem:$0x3FD9]  }
0x89: {  	s3 =	sld [smem:$0x3FFE];
	_ =	sdelay $0x1  }
0x8a: {  	s1 =	srdreg.scid  }
0x8b: {  	s0 =	sand.u32 $0x1, s1  }
0x8c: {  	s16 =	sshll.u32 s0, $0xA;
	s2 =	sadd.s32 s3, s2  }
0x8d: {  	s2 =	sadd.s32 s2, s16  }
0x8e: {  	[smem:$0x3FBA] =	sst s2  }
0x8f: {  	_ = 	snop  }
0x90: {  	(tm) =	ssettm $0x1  }
0x91: {  	s17 =	sld [smem:$0x3FFB];
	_ =	sdelay $0x3  }
0x92: {  	_ =	strace s17  }
0x93: {  	s2 =	sld [smem:$0x3FFC];
	_ =	sdelay $0x3  }
0x94: {  	_ =	strace s2  }
0x95: {  	s2 =	sld [smem:$0x3FFD];
	_ =	sdelay $0x3  }
0x96: {  	_ =	strace s2  }
0x97: {  	_ =	strace $0x8FFFFFFF  }
0x98: {  	s18 =	sld [smem:$0x3FDB];
	_ =	sdelay $0x1  }
0x99: {  	s19 =	simm.s32 $_scs_section_size  }
0x9a: {  	s4 =	simm.s32 $_size__tile_overlayer_lowered;
	s5 =	simm.s32 $_tile_overlayer_lowered  }
0x9b: {  	s22 =	simm.s32 $0x1BFF;
	s21 =	sshll.u32 s5, $0x1;
	s2 =	sadd.s32 s19, s18  }
0x9c: {  	s6 =	simm.s32 $0x0;
	s20 =	sshll.u32 s4, $0x1;
	s4 =	sadd.s32 s21, s2  }
0x9d: {  	[timem:s6], [sflag:s22] =	dma.local [hbm:s4], s20  }
0x9e: {  	_ =	swait.ge [sflag:s22], s20  }
0x9f: {  	s3 =	ssub.s32 $0x0, s20;
	[sflag:s22] =	ssyncset.done $0x0  }
0xa0: {  	[sflag:s22] =	ssyncadd.s32 s3;
	_ =	sdelay $0x1  }
0xa1: {  	s23 =	simm.s32 $0x1B8B  }
0xa2: {  	_ =	swait.ge [sflag:s23], $0x1  }
0xa3: {  	[sflag:s23] =	ssyncset.done $0x0  }
0xa4: {  	s25 =	simm.s32 $0x1B8E;
	s24 =	sld [smem:$0x3FFE];
	[sflag:s23] =	ssyncadd.s32 $0xFFFFFFFF  }
0xa5: {  	s26 =	simm.s32 $execute0_lowered;
	[smem:$0x3FD2] =	sst s25  }
0xa6: {  	s4 =	sshll.u32 s26, $0x1;
	_ =	strace $0x8000004F;
	[dreg:$0x1] =	wrdreg $0xFFFFFFFF  }
0xa7: {  	s28 =	simm.s32 $_size_execute0_lowered;
	s2 =	sadd.s32 s2, s4;
	[dreg:$0x0] =	wrdreg $0x0  }
0xa8: {  	s4 =	sshll.u32 s28, $0x1;
	[dreg:$0x2] =	wrdreg s2  }
0xa9: {  	[dreg:$0x3] =	wrdreg s4  }
0xaa: {  	[dreg:$0x4] =	wrdreg $0xC0  }
0xab: {  	_ =	task [dreg:s6], $0x5FFFF  }
0xac: {  	[dreg:$0x1] =	wrdreg $0xFFFFFFFF  }
0xad: {  	[dreg:$0x0] =	wrdreg $0x60  }
0xae: {  	[dreg:$0x2] =	wrdreg s24  }
0xaf: {  	[dreg:$0x3] =	wrdreg $0x0  }
0xb0: {  	[dreg:$0x4] =	wrdreg $0x9  }
0xb1: {  	_ =	task.clear_ibuf [dreg:s6], $0x5FFFF;
	_ =	strace $0x9000004F  }
0xb2: {  	s29 =	simm.s32 $0x9;
	_ =	strace $0x80000051  }
0xb3: {  	_ =	swait.ge [sflag:s29], $0x1  }
0xb4: {  	[sflag:s29] =	ssyncadd.s32 $0xFFFFFFFF  }
0xb5: {  	_ =	strace $0x90000051  }
0xb6: {  	_ =	sfence  }
0xb7: {  	s30 =	sld [smem:$0x0];
	_ =	sdelay $0x2  }
0xb8: {  	s31 =	sshll.u32 s1, $0xD;
	s1 =	sshrl.u32 s1, $0x2  }
0xb9: {  	s3 =	sand.u32 $0x4000, s31;
	s1 =	sadd.s32 s1, s30  }
0xba: {  	s0 =	sor.u32 s3, s0;
	s1 =	sshll.u32 s1, $0x11  }
0xbb: {  	s0 =	sor.u32 s1, s0  }
0xbc: {  	s0 =	sadd.s32 $0x8F2B, s0  }
0xbd: {  	[sflag:s0] =	ssyncadd.remote.s32 $0x1  }
0xbe: {  	_ =	sfence.sel $0xFFFF  }
0xbf: {  	[dreg:$0x0] =	wrdreg $0xFFFFFFFF;
	(pc) =	sbr.abs _section_cstart, $3  }
0xc0: {  	[dreg:$0x1] =	wrdreg $0xFFFFFFFF  }
0xc1: {  	_ =	task.clear_ibuf [dreg:s6], $0x2FFFF;
	_ =	strace $0x9FFFFFFF  }
0xc2: {  	(tm) =	ssettm $0x7FFFFFFF  }
0xc3: {  	_ =	shalt  }
tec
execute0_lowered:
.L_overlay_start_1:
0x0: {  	(tag) =	ssettag $0x1  }
0x1: {  	s7 =	rddreg [dreg:$0x0]  }
0x2: {  	s1 =	rddreg [dreg:$0x1]  }
0x3: {  	s2 =	simm.s32 $0x0;
	s3 =	srdreg.scid;
	s12 =	stileid.u32  }
0x4: {  	s17 =	simm.s32 $0x50;
	s18 =	simm.s32 $0x15800;
	s19 =	simm.s32 $0x1  }
0x5: {  	s20 =	simm.s32 $0x13910;
	s21 =	simm.s32 $0x18000;
	s22 =	simm.s32 $0x2  }
0x6: {  	s23 =	simm.s32 $0x148B0;
	s24 =	simm.s32 $0x3;
	[smem:$0x7FF] =	sst s2  }
0x7: {  	s8 =	sand.u32 $0x1, s3;
	s9 =	smul.u32 $0x2710, s12;
	s3 =	sadd.s32 $0x3D400, s7  }
0x8: {  	s4 =	sadd.s32 $0x29A00, s7;
	s5 =	sadd.s32 $0x7000, s7;
	s11 =	smul.u32 $0x13880, s12  }
0x9: {  	s6 =	sadd.s32 $0xD9800, s7;
	s30 =	smul.u32 $0x4E20, s12;
	s31 =	sshll.u32 s12, $0x6  }
0xa: {  	s16 =	sadd.s32 $0x138800, s1;
	p0 =	sne.s32 s12, $0x0;
	s10 =	smul.u32 $0x27100, s8  }
0xb: {  	_ =	strace $0x80000050;
	s25 =	ssub.s32 $0x2, s8;
	s28 =	smul.u32 $0x4E200, s8  }
0xc: {  	s8 =	sor.u32 $0x1C05, s31;
	s26 =	sshrl.u32 s25, $0x1;
	s29 =	sshrl.u32 s11, $0x3  }
0xd: {  	s15 =	sadd.s32 s11, s1;
	s9 =	sadd.s32 s9, s10;
	s14 =	ssub.s32 s25, s26  }
0xe: {  	s12 =	sshrl.u32 s15, $0x3;
	s15 =	simm.s32 $0x138C0;
	s25 =	simm.s32 $0x13960  }
0xf: {  	s26 =	simm.s32 $0x4;
	s13 =	sadd.s32 s9, s7;
	s7 =	sadd.s32 s6, s29  }
0x10: {  	s9 =	sadd.s32 s30, s28;
	s11 =	smax.u32 s14, $0x1;
	s14 =	sshrl.u32 @!p0 s16, $0x3  }
0x11: {  	s16 =	simm.s32 $0x14860;
	s10 =	sadd.s32 $0x100A00, s13;
	s13 =	simm.s32 $0x5  }
.LBB2_1:
0x12: {  	[spmem:s12], [sflag:s8] =	dma.local [hbm:s7], $0x2710  }
0x13: {  	_ =	swait.ge [sflag:s13], $0x2710  }
0x14: {  	[sflag:s13] =	ssyncset.done $0x0  }
0x15: {  	s28 =	simm.s32 @!p0 $0x5;
	[sflag:s13] =	ssyncadd.s32 $0xFFFFD8F0  }
0x16: {  	[spmem:s14], [sflag:s8] =	dma.local @!p0 [hbm:s6], $0x80  }
0x17: {  	_ =	swait.ge @!p0 [sflag:s28], $0x80  }
0x18: {  	[sflag:s28] =	ssyncset.done @!p0 $0x0  }
0x19: {  	[sflag:s28] =	ssyncadd.s32 @!p0 $0xFFFFFF80  }
0x1a: {  	s28 =	simm.s32 $0x0;
	[bflag:$0x0] =	sbarrier.arrive $0xFFFF  }
.LBB2_2:
0x1b: {  	s29 =	smul.u32 $0xFA0, s28;
	_ =	sdelay $0x1  }
0x1c: {  	s29 =	sadd.s32 s29, s9  }
0x1d: {  	s30 =	sshrl.u32 s29, $0x3  }
0x1e: {  	s29 =	simm.s32 $0x0;
	s31 =	sadd.s32 s4, s30  }
0x1f: {  	[tilespmem:s15], [sflag:$0x5] =	stream.linear.gather [hbm4b:s31+s29], $0xFA0, $0x38;
	[tilespmem:$0x1A800] =	vst v63  }
0x20: {  	_ =	swait.ge [sflag:s13], $0xFA0  }
0x21: {  	[sflag:s13] =	ssyncset.done $0x0  }
0x22: {  	s30 =	sadd.s32 s5, s30;
	[sflag:s13] =	ssyncadd.s32 $0xFFFFF060  }
0x23: {  	[tilespmem:s16], [sflag:$0x5] =	stream.linear.gather [hbm4b:s30+s29], $0xFA0, $0x38;
	[tilespmem:$0x1A800] =	vst v63  }
0x24: {  	_ =	swait.ge [sflag:s13], $0xFA0  }
0x25: {  	[sflag:s13] =	ssyncset.done $0x0  }
0x26: {  	[sflag:s13] =	ssyncadd.s32 $0xFFFFF060  }
0x27: {  	[tilespmem:s18], [sflag:$0x1] =	stream.indirect.gather [hbm4b:s3+s17], $0x80, s15, s17, $0xb8;
	[tilespmem:$0x1A800] =	vst v63  }
0x28: {  	_ =	swait.ge [sflag:s19], $0x2800  }
0x29: {  	[sflag:s19] =	ssyncset.done $0x0  }
0x2a: {  	[sflag:s19] =	ssyncadd.s32 $0xFFFFD800  }
0x2b: {  	[spmem:s1] =	stream.indirect.scatter.add.f32 [tilespmem:s18], [sflag:$0x3], $0x80, s16, s17, $0xb8;
	[tilespmem:$0x1A800] =	vst v63  }
0x2c: {  	_ = 	snop  }
0x2d: {  	[tilespmem:s21], [sflag:$0x2] =	stream.indirect.gather [hbm4b:s3+s17], $0x80, s20, s17, $0xb8;
	[tilespmem:$0x1A800] =	vst v63  }
0x2e: {  	_ =	swait.ge [sflag:s22], $0x2800  }
0x2f: {  	[sflag:s22] =	ssyncset.done $0x0  }
0x30: {  	[sflag:s22] =	ssyncadd.s32 $0xFFFFD800  }
0x31: {  	[spmem:s1] =	stream.indirect.scatter.add.f32 [tilespmem:s21], [sflag:$0x4], $0x80, s23, s17, $0xb8;
	[tilespmem:$0x1A800] =	vst v63  }
0x32: {  	_ =	swait.ge [sflag:s24], $0x2800  }
0x33: {  	[sflag:s24] =	ssyncset.done $0x0  }
0x34: {  	[sflag:s24] =	ssyncadd.s32 $0xFFFFD800  }
0x35: {  	[tilespmem:s18], [sflag:$0x1] =	stream.indirect.gather [hbm4b:s3+s17], $0x80, s25, s17, $0xb8;
	[tilespmem:$0x1A800] =	vst v63  }
.LBB2_3:
0x36: {  	_ =	swait.ge [sflag:s19], $0x2800  }
0x37: {  	s30 =	sshra.s32 s29, $0x2;
	[sflag:s19] =	ssyncset.done $0x0  }
0x38: {  	s31 =	sadd.s32 $0x14900, s30;
	[sflag:s19] =	ssyncadd.s32 $0xFFFFD800  }
0x39: {  	[spmem:s1] =	stream.indirect.scatter.add.f32 [tilespmem:s18], [sflag:$0x3], $0x80, s31, s17, $0xb8;
	[tilespmem:$0x1A800] =	vst v63  }
0x3a: {  	_ =	swait.ge [sflag:s26], $0x2800  }
0x3b: {  	[sflag:s26] =	ssyncset.done $0x0  }
0x3c: {  	s0 =	sadd.s32 $0x139B0, s30;
	[sflag:s26] =	ssyncadd.s32 $0xFFFFD800  }
0x3d: {  	[tilespmem:s21], [sflag:$0x2] =	stream.indirect.gather [hbm4b:s3+s17], $0x80, s0, s17, $0xb8;
	[tilespmem:$0x1A800] =	vst v63  }
0x3e: {  	_ =	swait.ge [sflag:s22], $0x2800  }
0x3f: {  	[sflag:s22] =	ssyncset.done $0x0  }
0x40: {  	p1 =	seq.s32 s29, $0x3980;
	s30 =	sadd.s32 $0x14950, s30;
	[sflag:s22] =	ssyncadd.s32 $0xFFFFD800  }
0x41: {  	[spmem:s1] =	stream.indirect.scatter.add.f32 [tilespmem:s21], [sflag:$0x4], $0x80, s30, s17, $0xb8;
	[tilespmem:$0x1A800] =	vst v63  }
0x42: {  	s31 =	simm.s32 @!p1 $0x50;
	s0 =	simm.s32 @!p1 $0x15800;
	_ =	swait.ge [sflag:s24], $0x2800  }
0x43: {  	s30 =	sshra.s32 @!p1 s29, $0x2;
	s29 =	sadd.s32 @!p1 $0x280, s29;
	[sflag:s24] =	ssyncset.done $0x0  }
0x44: {  	s30 =	sadd.s32 @!p1 $0x13A00, s30;
	p2 =	sne.s32 @!p1 s29, $0x3C00;
	[sflag:s24] =	ssyncadd.s32 $0xFFFFD800  }
0x45: {  	[tilespmem:s0], [sflag:$0x1] =	stream.indirect.gather @!p1 [hbm4b:s3+s31], $0x80, s30, s31, $0xb8;
	[tilespmem:$0x1A800] =	vst v63  }
0x46: {  	p1 =	por p1, !p2  }
.Ltmp0:
0x47: {  	_ = 	snop;
	(pc) =	sbr.rel @!p1 .LBB2_3-.Ltmp0, $1  }
0x48: {  	_ =	sdelay $0x3  }
0x49: {  	s28 =	sadd.s32 $0x1, s28  }
0x4a: {  	p1 =	sne.s32 s28, $0x5  }
.Ltmp1:
0x4b: {  	_ = 	snop;
	(pc) =	sbr.rel @p1 .LBB2_2-.Ltmp1, $4  }
0x4c: {  	_ = 	snop  }
0x4d: {  	_ =	swait.ge [sflag:s26], $0x2800  }
0x4e: {  	[sflag:s26] =	ssyncset.done $0x0  }
0x4f: {  	[sflag:s26] =	ssyncadd.s32 $0xFFFFD800  }
0x50: {  	s2 =	sadd.s32 $0x1, s2  }
0x51: {  	p1 =	sne.s32 s2, s11  }
.Ltmp2:
0x52: {  	[bflag:$0x0] =	sbarrier.arrive $0xFFFF;
	(pc) =	sbr.rel @p1 .LBB2_1-.Ltmp2, $4  }
0x53: {  	[hbm:s10], [sflag:s8] =	dma.local [spmem:s12], $0x2710  }
0x54: {  	_ =	swait.ge [sflag:s13], $0x2710  }
0x55: {  	[sflag:s13] =	ssyncset.done $0x0  }
0x56: {  	[sflag:s13] =	ssyncadd.s32 $0xFFFFD8F0  }
0x57: {  	_ =	sfence.sel $0x180000  }
0x58: {  	[bflag:$0x0] =	sbarrier.arrive $0xFFFF  }
0x59: {  	_ =	strace $0x90000050  }
0x5a: {  	[bflag:$0x2] =	sbarrier.arrive $0xFFFF  }
0x5b: {  	s0 =	rddreg [dreg:$0x2]  }
0x5c: {  	s0 =	sadd.s32 @!p0 $0x100000, s0  }
0x5d: {  	[sflag:s0] =	ssyncadd.tile.s32 @!p0 $0x1;
	_ =	shalt  }
.Lfunc_end2:
_tile_overlayer_lowered:
.L_overlay_start_2:
0x5e: {  	(tag) =	ssettag $0x2  }
0x5f: {  	s0 =	rddreg [dreg:$0x0];
	s2 =	stileid.u32  }
0x60: {  	s1 =	rddreg [dreg:$0x1];
	p0 =	sne.s32 s2, $0x0  }
0x61: {  	s3 =	rddreg [dreg:$0x2];
	[bflag:$0x3] =	sbarrier.arrive $0xFFFF;
	s2 =	simm.s32 @!p0 $0x1C05  }
0x62: {  	[timem:s3], [sflag:s2] =	dma.local @!p0 [hbm:s0], s1  }
0x63: {  	s0 =	simm.s32 @!p0 $0x5  }
0x64: {  	_ =	swait.ge @!p0 [sflag:s0], s1  }
0x65: {  	s1 =	ssub.s32 @!p0 $0x0, s1;
	[sflag:s0] =	ssyncset.done @!p0 $0x0  }
0x66: {  	[sflag:s0] =	ssyncadd.s32 @!p0 s1  }
0x67: {  	[bflag:$0x3] =	sbarrier.arrive $0xFFFF  }
0x68: {  	_ =	shalt  }

</sc_bundles>
